<compile_context>
chip_gen: v7x
topology: tpu7x:2x2x1
jax: 0.10.2.dev20260603
libtpu: 0.0.44.dev20260713+nightly
codegen_flags: <defaults>
</compile_context>

<pallas_src>
import functools

import jax
import jax.numpy as jnp
from jax import lax
from jax.experimental import pallas as pl
from jax.experimental.pallas import tpu as pltpu
from jax.experimental.pallas import tpu_sc as plsc


def _argmin_kernel(z_ref, cbm2_ref, c2_ref, idx_ref):
    N = cbm2_ref.shape[0]
    ds = cbm2_ref.shape[2]
    for n in range(N):
        zb = z_ref[0, n * ds:(n + 1) * ds]
        cbm2 = cbm2_ref[n]
        c2 = c2_ref[n]

        xcm2 = jax.lax.dot_general(
            cbm2, zb, (((1,), (0,)), ((), ())),
            preferred_element_type=jnp.float32)
        x2 = jnp.sum(zb * zb, axis=0, keepdims=True)
        scores = (x2 + c2) + xcm2

        idx_ref[0, n, 0] = jnp.argmin(scores, axis=0)


def _make_sc_gather(N, B, ds, M, HW):
    mesh = plsc.VectorSubcoreMesh(core_axis_name="c", subcore_axis_name="s")
    info = plsc.get_sparse_core_info()
    NC = info.num_cores
    L = info.num_lanes
    chunks = HW // L

    NW = NC * info.num_subcores

    @functools.partial(
        pl.kernel,
        mesh=mesh,
        out_type=[
            jax.ShapeDtypeStruct((B, N * ds, HW), jnp.float32),
            jax.ShapeDtypeStruct((NW, L), jnp.float32),
        ],
        scratch_types=[
            pltpu.VMEM((ds * M,), jnp.float32),
            pltpu.VMEM((HW,), jnp.int32),
            pltpu.VMEM((ds, HW), jnp.float32),
            pltpu.VMEM((ds, HW), jnp.float32),
            pltpu.VMEM((L,), jnp.float32),
        ],
        compiler_params=pltpu.CompilerParams(needs_layout_passes=False),
    )
    def sc_gather(cbt_hbm, idx_hbm, z_hbm, out_hbm, vqp_hbm,
                  cbt_v, idx_v, q_v, z_v, acc_v):
        n = lax.axis_index("s") * NC + lax.axis_index("c")
        pltpu.sync_copy(cbt_hbm.at[n], cbt_v)

        def b_body(b, acc):
            pltpu.sync_copy(idx_hbm.at[b, n], idx_v)
            pltpu.sync_copy(z_hbm.at[b, pl.ds(n * ds, ds), :], z_v)

            def c_body(c, acc2):
                t0 = c * L
                iv = idx_v[pl.ds(t0, L)]
                for d in range(ds):
                    g = plsc.load_gather(cbt_v, [iv + (d * M)])
                    q_v[d, pl.ds(t0, L)] = g
                    df = z_v[d, pl.ds(t0, L)] - g
                    acc2 = acc2 + df * df
                return acc2

            acc = lax.fori_loop(0, chunks, c_body, acc, unroll=2)
            pltpu.sync_copy(q_v, out_hbm.at[b, pl.ds(n * ds, ds), :])
            return acc

        acc = lax.fori_loop(0, B, b_body, jnp.zeros((L,), jnp.float32))
        acc_v[...] = acc
        pltpu.sync_copy(acc_v, vqp_hbm.at[n])

    return sc_gather


@functools.partial(jax.jit, static_argnames=())
def kernel(z, cb):
    beta = 0.25
    B, D, H, W = z.shape
    N, M, ds = cb.shape
    T = B * H * W
    HW = H * W

    zr = z.reshape(B, D, HW)
    c2 = jnp.sum(cb * cb, axis=2, keepdims=True)
    cb_m2 = -2.0 * cb
    cbt = jnp.transpose(cb, (0, 2, 1)).reshape(N, ds * M)

    idx = pl.pallas_call(
        _argmin_kernel,
        grid=(B,),
        in_specs=[
            pl.BlockSpec((1, D, HW), lambda b: (b, 0, 0)),
            pl.BlockSpec((N, M, ds), lambda b: (0, 0, 0)),
            pl.BlockSpec((N, M, 1), lambda b: (0, 0, 0)),
        ],
        out_specs=pl.BlockSpec((1, N, 1, HW), lambda b: (b, 0, 0, 0)),
        out_shape=jax.ShapeDtypeStruct((B, N, 1, HW), jnp.int32),
        compiler_params=pltpu.CompilerParams(
            dimension_semantics=("parallel",)),
    )(zr, cb_m2, c2)

    zq, vqp = _make_sc_gather(N, B, ds, M, HW)(
        cbt, idx.reshape(B, N, HW), zr)

    z_q = zq.reshape(B, D, H, W)
    indices = idx.reshape(B, N, H, W)
    vq_loss = (1.0 + beta) * jnp.sum(vqp) / (N * T * ds)
    return (z_q, vq_loss, indices)

# --- scband reference (transcript-rebuilt; emitter-appended) ---
"""Pipeline reference for scband-dcvqquantizer-17892833755572 (READ-ONLY COPY).

The authoritative reference and input builder live on the scoring server;
editing this copy changes nothing except your own understanding.
"""

import jax, jax.numpy as jnp
import numpy as np


def setup_inputs(seed: int = 0) -> dict:
    key = jax.random.key(seed)
    k1, k2 = jax.random.split(key)
    z = jax.random.normal(k1, (8, 256, 32, 32), dtype=jnp.float32)
    # codebooks: N=32 subspaces, M=512 codes, ds=8 dims each (init * 0.02 as in torch)
    cb = jax.random.normal(k2, (32, 512, 8), dtype=jnp.float32) * 0.02
    return {"z": z, "cb": cb}


def reference(z, cb):
    beta = 0.25
    B, D, H, W = z.shape
    N, M, ds = cb.shape
    sg = jax.lax.stop_gradient
    # [B, D, H, W] -> [B, H, W, D] -> [T, D] -> [N, T, ds]
    z_flat = jnp.transpose(z, (0, 2, 3, 1)).reshape(-1, D)
    xs = jnp.transpose(z_flat.reshape(-1, N, ds), (1, 0, 2))  # [N, T, ds]
    # pairwise Euclidean distances per subspace (cdist)
    x2 = jnp.sum(xs * xs, axis=-1, keepdims=True)          # [N, T, 1]
    c2 = jnp.sum(cb * cb, axis=-1)[:, None, :]             # [N, 1, M]
    xc = jnp.einsum('ntd,nmd->ntm', xs, cb)                # [N, T, M]
    dist = jnp.sqrt(jnp.maximum(x2 + c2 - 2.0 * xc, 0.0))  # [N, T, M]
    idx = jnp.argmin(dist, axis=-1)                        # [N, T]
    q = jnp.take_along_axis(cb, idx[:, :, None], axis=1)   # [N, T, ds]
    # VQ loss, accumulated over subspaces then divided by N (as in torch)
    loss_codebook = jnp.mean((sg(xs) - q) ** 2, axis=(1, 2))   # [N]
    loss_commit = jnp.mean((xs - sg(q)) ** 2, axis=(1, 2))     # [N]
    vq = jnp.mean(loss_codebook + beta * loss_commit)
    # straight-through estimator
    q_st = xs + sg(q - xs)                                 # [N, T, ds]
    z_q_flat = jnp.transpose(q_st, (1, 0, 2)).reshape(-1, D)
    z_q = jnp.transpose(z_q_flat.reshape(B, H, W, D), (0, 3, 1, 2))
    indices = jnp.transpose(idx.reshape(N, B, H, W), (1, 0, 2, 3))  # [B, N, H, W]
    return (z_q, vq, indices)

if __name__ == "__main__":
    import jax
    _d = setup_inputs()
    print(jax.jit(kernel)(*tuple(_d.values())))

</pallas_src>

<mosaic_0001>
#map = affine_map<(d0, d1) -> (0, 0)>
#map1 = affine_map<(d0, d1) -> (0, 0, 0)>
module attributes {stable_mosaic.version = 14 : i64} {
  func.func @sc_gather(%arg0: i32, %arg1: i32, %arg2: memref<32x4096xf32, #tpu.memory_space<hbm>>, %arg3: memref<8x32x1024xi32, #tpu.memory_space<hbm>>, %arg4: memref<8x256x1024xf32, #tpu.memory_space<hbm>>, %arg5: memref<8x256x1024xf32, #tpu.memory_space<hbm>>, %arg6: memref<32x16xf32, #tpu.memory_space<hbm>>, %arg7: memref<4096xf32, #tpu.memory_space<vmem>>, %arg8: memref<1024xi32, #tpu.memory_space<vmem>>, %arg9: memref<8x1024xf32, #tpu.memory_space<vmem>>, %arg10: memref<8x1024xf32, #tpu.memory_space<vmem>>, %arg11: memref<16xf32, #tpu.memory_space<vmem>>) attributes {dimension_semantics = [#tpu.dimension_semantics<core_parallel>, #tpu.dimension_semantics<subcore_parallel>], iteration_bounds = array<i64: 2, 16>, scalar_prefetch = 0 : i64, scratch_operands = 5 : i64, tpu.core_type = #tpu.core_type<sc_vector_subcore>, window_params = [{transform_indices = #map}, {transform_indices = #map1}, {transform_indices = #map1}, {transform_indices = #map1}, {transform_indices = #map}]} {
    %mul3A = arith.constant 2 : i32
    %mul3A_0 = arith.muli %arg1, %mul3A : i32
    %add3A = arith.addi %mul3A_0, %arg0 : i32
    "tpu.region"() ({
      %run_scoped3A = tpu.sem_alloc : memref<!tpu.dma_semaphore, #tpu.memory_space<semaphore_mem>>
      %dma_start3A = arith.constant 0 : i32
      %dma_start3A_8 = tpu.memref_slice %arg2[%add3A, %dma_start3A] : memref<32x4096xf32, #tpu.memory_space<hbm>> -> memref<1x4096xf32, #tpu.memory_space<hbm>>
      %dma_start3A_9 = tpu.memref_squeeze %dma_start3A_8 : memref<1x4096xf32, #tpu.memory_space<hbm>> -> memref<4096xf32, #tpu.memory_space<hbm>>
      %dma_start3A_10 = arith.constant 0 : i32
      %dma_start3A_11 = tpu.memref_slice %arg2[%add3A, %dma_start3A_10] : memref<32x4096xf32, #tpu.memory_space<hbm>> -> memref<1x4096xf32, #tpu.memory_space<hbm>>
      %dma_start3A_12 = tpu.memref_squeeze %dma_start3A_11 : memref<1x4096xf32, #tpu.memory_space<hbm>> -> memref<4096xf32, #tpu.memory_space<hbm>>
      tpu.enqueue_dma source(%dma_start3A_12 : memref<4096xf32, #tpu.memory_space<hbm>>) target(%arg7 : memref<4096xf32, #tpu.memory_space<vmem>>) target_semaphore(%run_scoped3A : memref<!tpu.dma_semaphore, #tpu.memory_space<semaphore_mem>>)
      %dma_wait3A = arith.constant 0 : i32
      %dma_wait3A_13 = tpu.memref_slice %arg2[%add3A, %dma_wait3A] : memref<32x4096xf32, #tpu.memory_space<hbm>> -> memref<1x4096xf32, #tpu.memory_space<hbm>>
      %dma_wait3A_14 = tpu.memref_squeeze %dma_wait3A_13 : memref<1x4096xf32, #tpu.memory_space<hbm>> -> memref<4096xf32, #tpu.memory_space<hbm>>
      %dma_wait3A_15 = arith.constant 0 : i32
      %dma_wait3A_16 = tpu.memref_slice %arg2[%add3A, %dma_wait3A_15] : memref<32x4096xf32, #tpu.memory_space<hbm>> -> memref<1x4096xf32, #tpu.memory_space<hbm>>
      %dma_wait3A_17 = tpu.memref_squeeze %dma_wait3A_16 : memref<1x4096xf32, #tpu.memory_space<hbm>> -> memref<4096xf32, #tpu.memory_space<hbm>>
      tpu.wait_dma2 semaphore(%run_scoped3A : memref<!tpu.dma_semaphore, #tpu.memory_space<semaphore_mem>>) src(%dma_wait3A_17 : memref<4096xf32, #tpu.memory_space<hbm>>) dst(%arg7 : memref<4096xf32, #tpu.memory_space<vmem>>)
      tpu.yield
    }) : () -> ()
    %broadcast_in_dim3A = arith.constant 0.000000e+00 : f32
    %broadcast_in_dim3A_1 = vector.broadcast %broadcast_in_dim3A : f32 to vector<16xf32>
    %scan3A = arith.constant 0 : i32
    %scan3A_2 = arith.constant 8 : i32
    %scan3A_3 = arith.addi %scan3A, %scan3A_2 : i32
    %scan3A_4 = arith.constant 1 : i32
    %scan3A_5 = scf.for %scan3A_8 = %scan3A to %scan3A_3 step %scan3A_4 iter_args(%scan3A_9 = %broadcast_in_dim3A_1) -> (vector<16xf32>)  : i32 {
      "tpu.region"() ({
        %run_scoped3A = tpu.sem_alloc : memref<!tpu.dma_semaphore, #tpu.memory_space<semaphore_mem>>
        %dma_start3A = arith.constant 0 : i32
        %dma_start3A_20 = tpu.memref_slice %arg3[%scan3A_8, %add3A, %dma_start3A] : memref<8x32x1024xi32, #tpu.memory_space<hbm>> -> memref<1x1x1024xi32, #tpu.memory_space<hbm>>
        %dma_start3A_21 = tpu.memref_squeeze %dma_start3A_20 : memref<1x1x1024xi32, #tpu.memory_space<hbm>> -> memref<1024xi32, #tpu.memory_space<hbm>>
        %dma_start3A_22 = arith.constant 0 : i32
        %dma_start3A_23 = tpu.memref_slice %arg3[%scan3A_8, %add3A, %dma_start3A_22] : memref<8x32x1024xi32, #tpu.memory_space<hbm>> -> memref<1x1x1024xi32, #tpu.memory_space<hbm>>
        %dma_start3A_24 = tpu.memref_squeeze %dma_start3A_23 : memref<1x1x1024xi32, #tpu.memory_space<hbm>> -> memref<1024xi32, #tpu.memory_space<hbm>>
        tpu.enqueue_dma source(%dma_start3A_24 : memref<1024xi32, #tpu.memory_space<hbm>>) target(%arg8 : memref<1024xi32, #tpu.memory_space<vmem>>) target_semaphore(%run_scoped3A : memref<!tpu.dma_semaphore, #tpu.memory_space<semaphore_mem>>)
        %dma_wait3A = arith.constant 0 : i32
        %dma_wait3A_25 = tpu.memref_slice %arg3[%scan3A_8, %add3A, %dma_wait3A] : memref<8x32x1024xi32, #tpu.memory_space<hbm>> -> memref<1x1x1024xi32, #tpu.memory_space<hbm>>
        %dma_wait3A_26 = tpu.memref_squeeze %dma_wait3A_25 : memref<1x1x1024xi32, #tpu.memory_space<hbm>> -> memref<1024xi32, #tpu.memory_space<hbm>>
        %dma_wait3A_27 = arith.constant 0 : i32
        %dma_wait3A_28 = tpu.memref_slice %arg3[%scan3A_8, %add3A, %dma_wait3A_27] : memref<8x32x1024xi32, #tpu.memory_space<hbm>> -> memref<1x1x1024xi32, #tpu.memory_space<hbm>>
        %dma_wait3A_29 = tpu.memref_squeeze %dma_wait3A_28 : memref<1x1x1024xi32, #tpu.memory_space<hbm>> -> memref<1024xi32, #tpu.memory_space<hbm>>
        tpu.wait_dma2 semaphore(%run_scoped3A : memref<!tpu.dma_semaphore, #tpu.memory_space<semaphore_mem>>) src(%dma_wait3A_29 : memref<1024xi32, #tpu.memory_space<hbm>>) dst(%arg8 : memref<1024xi32, #tpu.memory_space<vmem>>)
        tpu.yield
      }) : () -> ()
      %mul3A_10 = arith.constant 8 : i32
      %mul3A_11 = arith.muli %add3A, %mul3A_10 : i32
      "tpu.region"() ({
        %run_scoped3A = tpu.sem_alloc : memref<!tpu.dma_semaphore, #tpu.memory_space<semaphore_mem>>
        %dma_start3A = arith.constant 0 : i32
        %dma_start3A_20 = tpu.memref_slice %arg4[%scan3A_8, %mul3A_11, %dma_start3A] : memref<8x256x1024xf32, #tpu.memory_space<hbm>> -> memref<1x8x1024xf32, #tpu.memory_space<hbm>>
        %dma_start3A_21 = tpu.memref_squeeze %dma_start3A_20 : memref<1x8x1024xf32, #tpu.memory_space<hbm>> -> memref<8x1024xf32, #tpu.memory_space<hbm>>
        %dma_start3A_22 = arith.constant 0 : i32
        %dma_start3A_23 = tpu.memref_slice %arg4[%scan3A_8, %mul3A_11, %dma_start3A_22] : memref<8x256x1024xf32, #tpu.memory_space<hbm>> -> memref<1x8x1024xf32, #tpu.memory_space<hbm>>
        %dma_start3A_24 = tpu.memref_squeeze %dma_start3A_23 : memref<1x8x1024xf32, #tpu.memory_space<hbm>> -> memref<8x1024xf32, #tpu.memory_space<hbm>>
        tpu.enqueue_dma source(%dma_start3A_24 : memref<8x1024xf32, #tpu.memory_space<hbm>>) target(%arg10 : memref<8x1024xf32, #tpu.memory_space<vmem>>) target_semaphore(%run_scoped3A : memref<!tpu.dma_semaphore, #tpu.memory_space<semaphore_mem>>)
        %dma_wait3A = arith.constant 0 : i32
        %dma_wait3A_25 = tpu.memref_slice %arg4[%scan3A_8, %mul3A_11, %dma_wait3A] : memref<8x256x1024xf32, #tpu.memory_space<hbm>> -> memref<1x8x1024xf32, #tpu.memory_space<hbm>>
        %dma_wait3A_26 = tpu.memref_squeeze %dma_wait3A_25 : memref<1x8x1024xf32, #tpu.memory_space<hbm>> -> memref<8x1024xf32, #tpu.memory_space<hbm>>
        %dma_wait3A_27 = arith.constant 0 : i32
        %dma_wait3A_28 = tpu.memref_slice %arg4[%scan3A_8, %mul3A_11, %dma_wait3A_27] : memref<8x256x1024xf32, #tpu.memory_space<hbm>> -> memref<1x8x1024xf32, #tpu.memory_space<hbm>>
        %dma_wait3A_29 = tpu.memref_squeeze %dma_wait3A_28 : memref<1x8x1024xf32, #tpu.memory_space<hbm>> -> memref<8x1024xf32, #tpu.memory_space<hbm>>
        tpu.wait_dma2 semaphore(%run_scoped3A : memref<!tpu.dma_semaphore, #tpu.memory_space<semaphore_mem>>) src(%dma_wait3A_29 : memref<8x1024xf32, #tpu.memory_space<hbm>>) dst(%arg10 : memref<8x1024xf32, #tpu.memory_space<vmem>>)
        tpu.yield
      }) : () -> ()
      %scan3A_12 = arith.constant 0 : i32
      %scan3A_13 = arith.constant 64 : i32
      %scan3A_14 = arith.addi %scan3A_12, %scan3A_13 : i32
      %scan3A_15 = arith.constant 2 : i32
      %scan3A_16 = scf.for %scan3A_20 = %scan3A_12 to %scan3A_14 step %scan3A_15 iter_args(%scan3A_21 = %scan3A_9) -> (vector<16xf32>)  : i32 {
        %mul3A_22 = arith.constant 16 : i32
        %mul3A_23 = arith.muli %scan3A_20, %mul3A_22 : i32
        %get3A = arith.index_cast %mul3A_23 : i32 to index
        %get3A_24 = tpu.vector_load %arg8[%get3A] {strides = array<i32>} : memref<1024xi32, #tpu.memory_space<vmem>>, vector<16xi32>,
        %add3A_25 = arith.constant 0 : i32
        %add3A_26 = vector.broadcast %add3A_25 : i32 to vector<16xi32>
        %add3A_27 = arith.addi %get3A_24, %add3A_26 : vector<16xi32>
        %gather3A = tpu.vector_load_idx %arg7[%add3A_27] : memref<4096xf32, #tpu.memory_space<vmem>>[vector<16xi32>], vector<16xf32>,
        %swap3A_28 = arith.constant 0 : i32
        %swap3A_29 = arith.index_cast %swap3A_28 : i32 to index
        %swap3A_30 = arith.index_cast %mul3A_23 : i32 to index
        %swap3A_31 = tpu.vector_load %arg9[%swap3A_29, %swap3A_30] {strides = array<i32>} : memref<8x1024xf32, #tpu.memory_space<vmem>>, vector<16xf32>,
        tpu.vector_store %arg9[%swap3A_29, %swap3A_30], %gather3A {strides = array<i32>} : memref<8x1024xf32, #tpu.memory_space<vmem>>, vector<16xf32>,
        %get3A_32 = arith.constant 0 : i32
        %get3A_33 = arith.index_cast %get3A_32 : i32 to index
        %get3A_34 = arith.index_cast %mul3A_23 : i32 to index
        %get3A_35 = tpu.vector_load %arg10[%get3A_33, %get3A_34] {strides = array<i32>} : memref<8x1024xf32, #tpu.memory_space<vmem>>, vector<16xf32>,
        %sub3A = arith.subf %get3A_35, %gather3A : vector<16xf32>
        %mul3A_36 = arith.mulf %sub3A, %sub3A : vector<16xf32>
        %add3A_37 = arith.addf %scan3A_21, %mul3A_36 : vector<16xf32>
        %add3A_38 = arith.constant 512 : i32
        %add3A_39 = vector.broadcast %add3A_38 : i32 to vector<16xi32>
        %add3A_40 = arith.addi %get3A_24, %add3A_39 : vector<16xi32>
        %gather3A_41 = tpu.vector_load_idx %arg7[%add3A_40] : memref<4096xf32, #tpu.memory_space<vmem>>[vector<16xi32>], vector<16xf32>,
        %swap3A_42 = arith.constant 1 : i32
        %swap3A_43 = arith.index_cast %swap3A_42 : i32 to index
        %swap3A_44 = arith.index_cast %mul3A_23 : i32 to index
        %swap3A_45 = tpu.vector_load %arg9[%swap3A_43, %swap3A_44] {strides = array<i32>} : memref<8x1024xf32, #tpu.memory_space<vmem>>, vector<16xf32>,
        tpu.vector_store %arg9[%swap3A_43, %swap3A_44], %gather3A_41 {strides = array<i32>} : memref<8x1024xf32, #tpu.memory_space<vmem>>, vector<16xf32>,
        %get3A_46 = arith.constant 1 : i32
        %get3A_47 = arith.index_cast %get3A_46 : i32 to index
        %get3A_48 = arith.index_cast %mul3A_23 : i32 to index
        %get3A_49 = tpu.vector_load %arg10[%get3A_47, %get3A_48] {strides = array<i32>} : memref<8x1024xf32, #tpu.memory_space<vmem>>, vector<16xf32>,
        %sub3A_50 = arith.subf %get3A_49, %gather3A_41 : vector<16xf32>
        %mul3A_51 = arith.mulf %sub3A_50, %sub3A_50 : vector<16xf32>
        %add3A_52 = arith.addf %add3A_37, %mul3A_51 : vector<16xf32>
        %add3A_53 = arith.constant 1024 : i32
        %add3A_54 = vector.broadcast %add3A_53 : i32 to vector<16xi32>
        %add3A_55 = arith.addi %get3A_24, %add3A_54 : vector<16xi32>
        %gather3A_56 = tpu.vector_load_idx %arg7[%add3A_55] : memref<4096xf32, #tpu.memory_space<vmem>>[vector<16xi32>], vector<16xf32>,
        %swap3A_57 = arith.constant 2 : i32
        %swap3A_58 = arith.index_cast %swap3A_57 : i32 to index
        %swap3A_59 = arith.index_cast %mul3A_23 : i32 to index
        %swap3A_60 = tpu.vector_load %arg9[%swap3A_58, %swap3A_59] {strides = array<i32>} : memref<8x1024xf32, #tpu.memory_space<vmem>>, vector<16xf32>,
        tpu.vector_store %arg9[%swap3A_58, %swap3A_59], %gather3A_56 {strides = array<i32>} : memref<8x1024xf32, #tpu.memory_space<vmem>>, vector<16xf32>,
        %get3A_61 = arith.constant 2 : i32
        %get3A_62 = arith.index_cast %get3A_61 : i32 to index
        %get3A_63 = arith.index_cast %mul3A_23 : i32 to index
        %get3A_64 = tpu.vector_load %arg10[%get3A_62, %get3A_63] {strides = array<i32>} : memref<8x1024xf32, #tpu.memory_space<vmem>>, vector<16xf32>,
        %sub3A_65 = arith.subf %get3A_64, %gather3A_56 : vector<16xf32>
        %mul3A_66 = arith.mulf %sub3A_65, %sub3A_65 : vector<16xf32>
        %add3A_67 = arith.addf %add3A_52, %mul3A_66 : vector<16xf32>
        %add3A_68 = arith.constant 1536 : i32
        %add3A_69 = vector.broadcast %add3A_68 : i32 to vector<16xi32>
        %add3A_70 = arith.addi %get3A_24, %add3A_69 : vector<16xi32>
        %gather3A_71 = tpu.vector_load_idx %arg7[%add3A_70] : memref<4096xf32, #tpu.memory_space<vmem>>[vector<16xi32>], vector<16xf32>,
        %swap3A_72 = arith.constant 3 : i32
        %swap3A_73 = arith.index_cast %swap3A_72 : i32 to index
        %swap3A_74 = arith.index_cast %mul3A_23 : i32 to index
        %swap3A_75 = tpu.vector_load %arg9[%swap3A_73, %swap3A_74] {strides = array<i32>} : memref<8x1024xf32, #tpu.memory_space<vmem>>, vector<16xf32>,
        tpu.vector_store %arg9[%swap3A_73, %swap3A_74], %gather3A_71 {strides = array<i32>} : memref<8x1024xf32, #tpu.memory_space<vmem>>, vector<16xf32>,
        %get3A_76 = arith.constant 3 : i32
        %get3A_77 = arith.index_cast %get3A_76 : i32 to index
        %get3A_78 = arith.index_cast %mul3A_23 : i32 to index
        %get3A_79 = tpu.vector_load %arg10[%get3A_77, %get3A_78] {strides = array<i32>} : memref<8x1024xf32, #tpu.memory_space<vmem>>, vector<16xf32>,
        %sub3A_80 = arith.subf %get3A_79, %gather3A_71 : vector<16xf32>
        %mul3A_81 = arith.mulf %sub3A_80, %sub3A_80 : vector<16xf32>
        %add3A_82 = arith.addf %add3A_67, %mul3A_81 : vector<16xf32>
        %add3A_83 = arith.constant 2048 : i32
        %add3A_84 = vector.broadcast %add3A_83 : i32 to vector<16xi32>
        %add3A_85 = arith.addi %get3A_24, %add3A_84 : vector<16xi32>
        %gather3A_86 = tpu.vector_load_idx %arg7[%add3A_85] : memref<4096xf32, #tpu.memory_space<vmem>>[vector<16xi32>], vector<16xf32>,
        %swap3A_87 = arith.constant 4 : i32
        %swap3A_88 = arith.index_cast %swap3A_87 : i32 to index
        %swap3A_89 = arith.index_cast %mul3A_23 : i32 to index
        %swap3A_90 = tpu.vector_load %arg9[%swap3A_88, %swap3A_89] {strides = array<i32>} : memref<8x1024xf32, #tpu.memory_space<vmem>>, vector<16xf32>,
        tpu.vector_store %arg9[%swap3A_88, %swap3A_89], %gather3A_86 {strides = array<i32>} : memref<8x1024xf32, #tpu.memory_space<vmem>>, vector<16xf32>,
        %get3A_91 = arith.constant 4 : i32
        %get3A_92 = arith.index_cast %get3A_91 : i32 to index
        %get3A_93 = arith.index_cast %mul3A_23 : i32 to index
        %get3A_94 = tpu.vector_load %arg10[%get3A_92, %get3A_93] {strides = array<i32>} : memref<8x1024xf32, #tpu.memory_space<vmem>>, vector<16xf32>,
        %sub3A_95 = arith.subf %get3A_94, %gather3A_86 : vector<16xf32>
        %mul3A_96 = arith.mulf %sub3A_95, %sub3A_95 : vector<16xf32>
        %add3A_97 = arith.addf %add3A_82, %mul3A_96 : vector<16xf32>
        %add3A_98 = arith.constant 2560 : i32
        %add3A_99 = vector.broadcast %add3A_98 : i32 to vector<16xi32>
        %add3A_100 = arith.addi %get3A_24, %add3A_99 : vector<16xi32>
        %gather3A_101 = tpu.vector_load_idx %arg7[%add3A_100] : memref<4096xf32, #tpu.memory_space<vmem>>[vector<16xi32>], vector<16xf32>,
        %swap3A_102 = arith.constant 5 : i32
        %swap3A_103 = arith.index_cast %swap3A_102 : i32 to index
        %swap3A_104 = arith.index_cast %mul3A_23 : i32 to index
        %swap3A_105 = tpu.vector_load %arg9[%swap3A_103, %swap3A_104] {strides = array<i32>} : memref<8x1024xf32, #tpu.memory_space<vmem>>, vector<16xf32>,
        tpu.vector_store %arg9[%swap3A_103, %swap3A_104], %gather3A_101 {strides = array<i32>} : memref<8x1024xf32, #tpu.memory_space<vmem>>, vector<16xf32>,
        %get3A_106 = arith.constant 5 : i32
        %get3A_107 = arith.index_cast %get3A_106 : i32 to index
        %get3A_108 = arith.index_cast %mul3A_23 : i32 to index
        %get3A_109 = tpu.vector_load %arg10[%get3A_107, %get3A_108] {strides = array<i32>} : memref<8x1024xf32, #tpu.memory_space<vmem>>, vector<16xf32>,
        %sub3A_110 = arith.subf %get3A_109, %gather3A_101 : vector<16xf32>
        %mul3A_111 = arith.mulf %sub3A_110, %sub3A_110 : vector<16xf32>
        %add3A_112 = arith.addf %add3A_97, %mul3A_111 : vector<16xf32>
        %add3A_113 = arith.constant 3072 : i32
        %add3A_114 = vector.broadcast %add3A_113 : i32 to vector<16xi32>
        %add3A_115 = arith.addi %get3A_24, %add3A_114 : vector<16xi32>
        %gather3A_116 = tpu.vector_load_idx %arg7[%add3A_115] : memref<4096xf32, #tpu.memory_space<vmem>>[vector<16xi32>], vector<16xf32>,
        %swap3A_117 = arith.constant 6 : i32
        %swap3A_118 = arith.index_cast %swap3A_117 : i32 to index
        %swap3A_119 = arith.index_cast %mul3A_23 : i32 to index
        %swap3A_120 = tpu.vector_load %arg9[%swap3A_118, %swap3A_119] {strides = array<i32>} : memref<8x1024xf32, #tpu.memory_space<vmem>>, vector<16xf32>,
        tpu.vector_store %arg9[%swap3A_118, %swap3A_119], %gather3A_116 {strides = array<i32>} : memref<8x1024xf32, #tpu.memory_space<vmem>>, vector<16xf32>,
        %get3A_121 = arith.constant 6 : i32
        %get3A_122 = arith.index_cast %get3A_121 : i32 to index
        %get3A_123 = arith.index_cast %mul3A_23 : i32 to index
        %get3A_124 = tpu.vector_load %arg10[%get3A_122, %get3A_123] {strides = array<i32>} : memref<8x1024xf32, #tpu.memory_space<vmem>>, vector<16xf32>,
        %sub3A_125 = arith.subf %get3A_124, %gather3A_116 : vector<16xf32>
        %mul3A_126 = arith.mulf %sub3A_125, %sub3A_125 : vector<16xf32>
        %add3A_127 = arith.addf %add3A_112, %mul3A_126 : vector<16xf32>
        %add3A_128 = arith.constant 3584 : i32
        %add3A_129 = vector.broadcast %add3A_128 : i32 to vector<16xi32>
        %add3A_130 = arith.addi %get3A_24, %add3A_129 : vector<16xi32>
        %gather3A_131 = tpu.vector_load_idx %arg7[%add3A_130] : memref<4096xf32, #tpu.memory_space<vmem>>[vector<16xi32>], vector<16xf32>,
        %swap3A_132 = arith.constant 7 : i32
        %swap3A_133 = arith.index_cast %swap3A_132 : i32 to index
        %swap3A_134 = arith.index_cast %mul3A_23 : i32 to index
        %swap3A_135 = tpu.vector_load %arg9[%swap3A_133, %swap3A_134] {strides = array<i32>} : memref<8x1024xf32, #tpu.memory_space<vmem>>, vector<16xf32>,
        tpu.vector_store %arg9[%swap3A_133, %swap3A_134], %gather3A_131 {strides = array<i32>} : memref<8x1024xf32, #tpu.memory_space<vmem>>, vector<16xf32>,
        %get3A_136 = arith.constant 7 : i32
        %get3A_137 = arith.index_cast %get3A_136 : i32 to index
        %get3A_138 = arith.index_cast %mul3A_23 : i32 to index
        %get3A_139 = tpu.vector_load %arg10[%get3A_137, %get3A_138] {strides = array<i32>} : memref<8x1024xf32, #tpu.memory_space<vmem>>, vector<16xf32>,
        %sub3A_140 = arith.subf %get3A_139, %gather3A_131 : vector<16xf32>
        %mul3A_141 = arith.mulf %sub3A_140, %sub3A_140 : vector<16xf32>
        %add3A_142 = arith.addf %add3A_127, %mul3A_141 : vector<16xf32>
        %scan3A_143 = arith.constant 1 : i32
        %scan3A_144 = arith.addi %scan3A_20, %scan3A_143 : i32
        %mul3A_145 = arith.constant 16 : i32
        %mul3A_146 = arith.muli %scan3A_144, %mul3A_145 : i32
        %get3A_147 = arith.index_cast %mul3A_146 : i32 to index
        %get3A_148 = tpu.vector_load %arg8[%get3A_147] {strides = array<i32>} : memref<1024xi32, #tpu.memory_space<vmem>>, vector<16xi32>,
        %add3A_149 = arith.constant 0 : i32
        %add3A_150 = vector.broadcast %add3A_149 : i32 to vector<16xi32>
        %add3A_151 = arith.addi %get3A_148, %add3A_150 : vector<16xi32>
        %gather3A_152 = tpu.vector_load_idx %arg7[%add3A_151] : memref<4096xf32, #tpu.memory_space<vmem>>[vector<16xi32>], vector<16xf32>,
        %swap3A_153 = arith.constant 0 : i32
        %swap3A_154 = arith.index_cast %swap3A_153 : i32 to index
        %swap3A_155 = arith.index_cast %mul3A_146 : i32 to index
        %swap3A_156 = tpu.vector_load %arg9[%swap3A_154, %swap3A_155] {strides = array<i32>} : memref<8x1024xf32, #tpu.memory_space<vmem>>, vector<16xf32>,
        tpu.vector_store %arg9[%swap3A_154, %swap3A_155], %gather3A_152 {strides = array<i32>} : memref<8x1024xf32, #tpu.memory_space<vmem>>, vector<16xf32>,
        %get3A_157 = arith.constant 0 : i32
        %get3A_158 = arith.index_cast %get3A_157 : i32 to index
        %get3A_159 = arith.index_cast %mul3A_146 : i32 to index
        %get3A_160 = tpu.vector_load %arg10[%get3A_158, %get3A_159] {strides = array<i32>} : memref<8x1024xf32, #tpu.memory_space<vmem>>, vector<16xf32>,
        %sub3A_161 = arith.subf %get3A_160, %gather3A_152 : vector<16xf32>
        %mul3A_162 = arith.mulf %sub3A_161, %sub3A_161 : vector<16xf32>
        %add3A_163 = arith.addf %add3A_142, %mul3A_162 : vector<16xf32>
        %add3A_164 = arith.constant 512 : i32
        %add3A_165 = vector.broadcast %add3A_164 : i32 to vector<16xi32>
        %add3A_166 = arith.addi %get3A_148, %add3A_165 : vector<16xi32>
        %gather3A_167 = tpu.vector_load_idx %arg7[%add3A_166] : memref<4096xf32, #tpu.memory_space<vmem>>[vector<16xi32>], vector<16xf32>,
        %swap3A_168 = arith.constant 1 : i32
        %swap3A_169 = arith.index_cast %swap3A_168 : i32 to index
        %swap3A_170 = arith.index_cast %mul3A_146 : i32 to index
        %swap3A_171 = tpu.vector_load %arg9[%swap3A_169, %swap3A_170] {strides = array<i32>} : memref<8x1024xf32, #tpu.memory_space<vmem>>, vector<16xf32>,
        tpu.vector_store %arg9[%swap3A_169, %swap3A_170], %gather3A_167 {strides = array<i32>} : memref<8x1024xf32, #tpu.memory_space<vmem>>, vector<16xf32>,
        %get3A_172 = arith.constant 1 : i32
        %get3A_173 = arith.index_cast %get3A_172 : i32 to index
        %get3A_174 = arith.index_cast %mul3A_146 : i32 to index
        %get3A_175 = tpu.vector_load %arg10[%get3A_173, %get3A_174] {strides = array<i32>} : memref<8x1024xf32, #tpu.memory_space<vmem>>, vector<16xf32>,
        %sub3A_176 = arith.subf %get3A_175, %gather3A_167 : vector<16xf32>
        %mul3A_177 = arith.mulf %sub3A_176, %sub3A_176 : vector<16xf32>
        %add3A_178 = arith.addf %add3A_163, %mul3A_177 : vector<16xf32>
        %add3A_179 = arith.constant 1024 : i32
        %add3A_180 = vector.broadcast %add3A_179 : i32 to vector<16xi32>
        %add3A_181 = arith.addi %get3A_148, %add3A_180 : vector<16xi32>
        %gather3A_182 = tpu.vector_load_idx %arg7[%add3A_181] : memref<4096xf32, #tpu.memory_space<vmem>>[vector<16xi32>], vector<16xf32>,
        %swap3A_183 = arith.constant 2 : i32
        %swap3A_184 = arith.index_cast %swap3A_183 : i32 to index
        %swap3A_185 = arith.index_cast %mul3A_146 : i32 to index
        %swap3A_186 = tpu.vector_load %arg9[%swap3A_184, %swap3A_185] {strides = array<i32>} : memref<8x1024xf32, #tpu.memory_space<vmem>>, vector<16xf32>,
        tpu.vector_store %arg9[%swap3A_184, %swap3A_185], %gather3A_182 {strides = array<i32>} : memref<8x1024xf32, #tpu.memory_space<vmem>>, vector<16xf32>,
        %get3A_187 = arith.constant 2 : i32
        %get3A_188 = arith.index_cast %get3A_187 : i32 to index
        %get3A_189 = arith.index_cast %mul3A_146 : i32 to index
        %get3A_190 = tpu.vector_load %arg10[%get3A_188, %get3A_189] {strides = array<i32>} : memref<8x1024xf32, #tpu.memory_space<vmem>>, vector<16xf32>,
        %sub3A_191 = arith.subf %get3A_190, %gather3A_182 : vector<16xf32>
        %mul3A_192 = arith.mulf %sub3A_191, %sub3A_191 : vector<16xf32>
        %add3A_193 = arith.addf %add3A_178, %mul3A_192 : vector<16xf32>
        %add3A_194 = arith.constant 1536 : i32
        %add3A_195 = vector.broadcast %add3A_194 : i32 to vector<16xi32>
        %add3A_196 = arith.addi %get3A_148, %add3A_195 : vector<16xi32>
        %gather3A_197 = tpu.vector_load_idx %arg7[%add3A_196] : memref<4096xf32, #tpu.memory_space<vmem>>[vector<16xi32>], vector<16xf32>,
        %swap3A_198 = arith.constant 3 : i32
        %swap3A_199 = arith.index_cast %swap3A_198 : i32 to index
        %swap3A_200 = arith.index_cast %mul3A_146 : i32 to index
        %swap3A_201 = tpu.vector_load %arg9[%swap3A_199, %swap3A_200] {strides = array<i32>} : memref<8x1024xf32, #tpu.memory_space<vmem>>, vector<16xf32>,
        tpu.vector_store %arg9[%swap3A_199, %swap3A_200], %gather3A_197 {strides = array<i32>} : memref<8x1024xf32, #tpu.memory_space<vmem>>, vector<16xf32>,
        %get3A_202 = arith.constant 3 : i32
        %get3A_203 = arith.index_cast %get3A_202 : i32 to index
        %get3A_204 = arith.index_cast %mul3A_146 : i32 to index
        %get3A_205 = tpu.vector_load %arg10[%get3A_203, %get3A_204] {strides = array<i32>} : memref<8x1024xf32, #tpu.memory_space<vmem>>, vector<16xf32>,
        %sub3A_206 = arith.subf %get3A_205, %gather3A_197 : vector<16xf32>
        %mul3A_207 = arith.mulf %sub3A_206, %sub3A_206 : vector<16xf32>
        %add3A_208 = arith.addf %add3A_193, %mul3A_207 : vector<16xf32>
        %add3A_209 = arith.constant 2048 : i32
        %add3A_210 = vector.broadcast %add3A_209 : i32 to vector<16xi32>
        %add3A_211 = arith.addi %get3A_148, %add3A_210 : vector<16xi32>
        %gather3A_212 = tpu.vector_load_idx %arg7[%add3A_211] : memref<4096xf32, #tpu.memory_space<vmem>>[vector<16xi32>], vector<16xf32>,
        %swap3A_213 = arith.constant 4 : i32
        %swap3A_214 = arith.index_cast %swap3A_213 : i32 to index
        %swap3A_215 = arith.index_cast %mul3A_146 : i32 to index
        %swap3A_216 = tpu.vector_load %arg9[%swap3A_214, %swap3A_215] {strides = array<i32>} : memref<8x1024xf32, #tpu.memory_space<vmem>>, vector<16xf32>,
        tpu.vector_store %arg9[%swap3A_214, %swap3A_215], %gather3A_212 {strides = array<i32>} : memref<8x1024xf32, #tpu.memory_space<vmem>>, vector<16xf32>,
        %get3A_217 = arith.constant 4 : i32
        %get3A_218 = arith.index_cast %get3A_217 : i32 to index
        %get3A_219 = arith.index_cast %mul3A_146 : i32 to index
        %get3A_220 = tpu.vector_load %arg10[%get3A_218, %get3A_219] {strides = array<i32>} : memref<8x1024xf32, #tpu.memory_space<vmem>>, vector<16xf32>,
        %sub3A_221 = arith.subf %get3A_220, %gather3A_212 : vector<16xf32>
        %mul3A_222 = arith.mulf %sub3A_221, %sub3A_221 : vector<16xf32>
        %add3A_223 = arith.addf %add3A_208, %mul3A_222 : vector<16xf32>
        %add3A_224 = arith.constant 2560 : i32
        %add3A_225 = vector.broadcast %add3A_224 : i32 to vector<16xi32>
        %add3A_226 = arith.addi %get3A_148, %add3A_225 : vector<16xi32>
        %gather3A_227 = tpu.vector_load_idx %arg7[%add3A_226] : memref<4096xf32, #tpu.memory_space<vmem>>[vector<16xi32>], vector<16xf32>,
        %swap3A_228 = arith.constant 5 : i32
        %swap3A_229 = arith.index_cast %swap3A_228 : i32 to index
        %swap3A_230 = arith.index_cast %mul3A_146 : i32 to index
        %swap3A_231 = tpu.vector_load %arg9[%swap3A_229, %swap3A_230] {strides = array<i32>} : memref<8x1024xf32, #tpu.memory_space<vmem>>, vector<16xf32>,
        tpu.vector_store %arg9[%swap3A_229, %swap3A_230], %gather3A_227 {strides = array<i32>} : memref<8x1024xf32, #tpu.memory_space<vmem>>, vector<16xf32>,
        %get3A_232 = arith.constant 5 : i32
        %get3A_233 = arith.index_cast %get3A_232 : i32 to index
        %get3A_234 = arith.index_cast %mul3A_146 : i32 to index
        %get3A_235 = tpu.vector_load %arg10[%get3A_233, %get3A_234] {strides = array<i32>} : memref<8x1024xf32, #tpu.memory_space<vmem>>, vector<16xf32>,
        %sub3A_236 = arith.subf %get3A_235, %gather3A_227 : vector<16xf32>
        %mul3A_237 = arith.mulf %sub3A_236, %sub3A_236 : vector<16xf32>
        %add3A_238 = arith.addf %add3A_223, %mul3A_237 : vector<16xf32>
        %add3A_239 = arith.constant 3072 : i32
        %add3A_240 = vector.broadcast %add3A_239 : i32 to vector<16xi32>
        %add3A_241 = arith.addi %get3A_148, %add3A_240 : vector<16xi32>
        %gather3A_242 = tpu.vector_load_idx %arg7[%add3A_241] : memref<4096xf32, #tpu.memory_space<vmem>>[vector<16xi32>], vector<16xf32>,
        %swap3A_243 = arith.constant 6 : i32
        %swap3A_244 = arith.index_cast %swap3A_243 : i32 to index
        %swap3A_245 = arith.index_cast %mul3A_146 : i32 to index
        %swap3A_246 = tpu.vector_load %arg9[%swap3A_244, %swap3A_245] {strides = array<i32>} : memref<8x1024xf32, #tpu.memory_space<vmem>>, vector<16xf32>,
        tpu.vector_store %arg9[%swap3A_244, %swap3A_245], %gather3A_242 {strides = array<i32>} : memref<8x1024xf32, #tpu.memory_space<vmem>>, vector<16xf32>,
        %get3A_247 = arith.constant 6 : i32
        %get3A_248 = arith.index_cast %get3A_247 : i32 to index
        %get3A_249 = arith.index_cast %mul3A_146 : i32 to index
        %get3A_250 = tpu.vector_load %arg10[%get3A_248, %get3A_249] {strides = array<i32>} : memref<8x1024xf32, #tpu.memory_space<vmem>>, vector<16xf32>,
        %sub3A_251 = arith.subf %get3A_250, %gather3A_242 : vector<16xf32>
        %mul3A_252 = arith.mulf %sub3A_251, %sub3A_251 : vector<16xf32>
        %add3A_253 = arith.addf %add3A_238, %mul3A_252 : vector<16xf32>
        %add3A_254 = arith.constant 3584 : i32
        %add3A_255 = vector.broadcast %add3A_254 : i32 to vector<16xi32>
        %add3A_256 = arith.addi %get3A_148, %add3A_255 : vector<16xi32>
        %gather3A_257 = tpu.vector_load_idx %arg7[%add3A_256] : memref<4096xf32, #tpu.memory_space<vmem>>[vector<16xi32>], vector<16xf32>,
        %swap3A_258 = arith.constant 7 : i32
        %swap3A_259 = arith.index_cast %swap3A_258 : i32 to index
        %swap3A_260 = arith.index_cast %mul3A_146 : i32 to index
        %swap3A_261 = tpu.vector_load %arg9[%swap3A_259, %swap3A_260] {strides = array<i32>} : memref<8x1024xf32, #tpu.memory_space<vmem>>, vector<16xf32>,
        tpu.vector_store %arg9[%swap3A_259, %swap3A_260], %gather3A_257 {strides = array<i32>} : memref<8x1024xf32, #tpu.memory_space<vmem>>, vector<16xf32>,
        %get3A_262 = arith.constant 7 : i32
        %get3A_263 = arith.index_cast %get3A_262 : i32 to index
        %get3A_264 = arith.index_cast %mul3A_146 : i32 to index
        %get3A_265 = tpu.vector_load %arg10[%get3A_263, %get3A_264] {strides = array<i32>} : memref<8x1024xf32, #tpu.memory_space<vmem>>, vector<16xf32>,
        %sub3A_266 = arith.subf %get3A_265, %gather3A_257 : vector<16xf32>
        %mul3A_267 = arith.mulf %sub3A_266, %sub3A_266 : vector<16xf32>
        %add3A_268 = arith.addf %add3A_253, %mul3A_267 : vector<16xf32>
        scf.yield %add3A_268 : vector<16xf32>
      }
      %scan3A_17 = arith.constant 64 : i32
      %mul3A_18 = arith.constant 8 : i32
      %mul3A_19 = arith.muli %add3A, %mul3A_18 : i32
      "tpu.region"() ({
        %run_scoped3A = tpu.sem_alloc : memref<!tpu.dma_semaphore, #tpu.memory_space<semaphore_mem>>
        %dma_start3A = arith.constant 0 : i32
        %dma_start3A_20 = tpu.memref_slice %arg5[%scan3A_8, %mul3A_19, %dma_start3A] : memref<8x256x1024xf32, #tpu.memory_space<hbm>> -> memref<1x8x1024xf32, #tpu.memory_space<hbm>>
        %dma_start3A_21 = tpu.memref_squeeze %dma_start3A_20 : memref<1x8x1024xf32, #tpu.memory_space<hbm>> -> memref<8x1024xf32, #tpu.memory_space<hbm>>
        %dma_start3A_22 = arith.constant 0 : i32
        %dma_start3A_23 = tpu.memref_slice %arg5[%scan3A_8, %mul3A_19, %dma_start3A_22] : memref<8x256x1024xf32, #tpu.memory_space<hbm>> -> memref<1x8x1024xf32, #tpu.memory_space<hbm>>
        %dma_start3A_24 = tpu.memref_squeeze %dma_start3A_23 : memref<1x8x1024xf32, #tpu.memory_space<hbm>> -> memref<8x1024xf32, #tpu.memory_space<hbm>>
        tpu.enqueue_dma source(%arg9 : memref<8x1024xf32, #tpu.memory_space<vmem>>) target(%dma_start3A_24 : memref<8x1024xf32, #tpu.memory_space<hbm>>) target_semaphore(%run_scoped3A : memref<!tpu.dma_semaphore, #tpu.memory_space<semaphore_mem>>)
        %dma_wait3A = arith.constant 0 : i32
        %dma_wait3A_25 = tpu.memref_slice %arg5[%scan3A_8, %mul3A_19, %dma_wait3A] : memref<8x256x1024xf32, #tpu.memory_space<hbm>> -> memref<1x8x1024xf32, #tpu.memory_space<hbm>>
        %dma_wait3A_26 = tpu.memref_squeeze %dma_wait3A_25 : memref<1x8x1024xf32, #tpu.memory_space<hbm>> -> memref<8x1024xf32, #tpu.memory_space<hbm>>
        %dma_wait3A_27 = arith.constant 0 : i32
        %dma_wait3A_28 = tpu.memref_slice %arg5[%scan3A_8, %mul3A_19, %dma_wait3A_27] : memref<8x256x1024xf32, #tpu.memory_space<hbm>> -> memref<1x8x1024xf32, #tpu.memory_space<hbm>>
        %dma_wait3A_29 = tpu.memref_squeeze %dma_wait3A_28 : memref<1x8x1024xf32, #tpu.memory_space<hbm>> -> memref<8x1024xf32, #tpu.memory_space<hbm>>
        tpu.wait_dma2 semaphore(%run_scoped3A : memref<!tpu.dma_semaphore, #tpu.memory_space<semaphore_mem>>) src(%arg9 : memref<8x1024xf32, #tpu.memory_space<vmem>>) dst(%dma_wait3A_29 : memref<8x1024xf32, #tpu.memory_space<hbm>>)
        tpu.yield
      }) : () -> ()
      scf.yield %scan3A_16 : vector<16xf32>
    }
    %scan3A_6 = arith.constant 8 : i32
    %swap3A = arith.constant 0 : index
    %swap3A_7 = tpu.vector_load %arg11[%swap3A] {strides = array<i32>} : memref<16xf32, #tpu.memory_space<vmem>>, vector<16xf32>,
    tpu.vector_store %arg11[%swap3A], %scan3A_5 {strides = array<i32>} : memref<16xf32, #tpu.memory_space<vmem>>, vector<16xf32>,
    "tpu.region"() ({
      %run_scoped3A = tpu.sem_alloc : memref<!tpu.dma_semaphore, #tpu.memory_space<semaphore_mem>>
      %dma_start3A = arith.constant 0 : i32
      %dma_start3A_8 = tpu.memref_slice %arg6[%add3A, %dma_start3A] : memref<32x16xf32, #tpu.memory_space<hbm>> -> memref<1x16xf32, #tpu.memory_space<hbm>>
      %dma_start3A_9 = tpu.memref_squeeze %dma_start3A_8 : memref<1x16xf32, #tpu.memory_space<hbm>> -> memref<16xf32, #tpu.memory_space<hbm>>
      %dma_start3A_10 = arith.constant 0 : i32
      %dma_start3A_11 = tpu.memref_slice %arg6[%add3A, %dma_start3A_10] : memref<32x16xf32, #tpu.memory_space<hbm>> -> memref<1x16xf32, #tpu.memory_space<hbm>>
      %dma_start3A_12 = tpu.memref_squeeze %dma_start3A_11 : memref<1x16xf32, #tpu.memory_space<hbm>> -> memref<16xf32, #tpu.memory_space<hbm>>
      tpu.enqueue_dma source(%arg11 : memref<16xf32, #tpu.memory_space<vmem>>) target(%dma_start3A_12 : memref<16xf32, #tpu.memory_space<hbm>>) target_semaphore(%run_scoped3A : memref<!tpu.dma_semaphore, #tpu.memory_space<semaphore_mem>>)
      %dma_wait3A = arith.constant 0 : i32
      %dma_wait3A_13 = tpu.memref_slice %arg6[%add3A, %dma_wait3A] : memref<32x16xf32, #tpu.memory_space<hbm>> -> memref<1x16xf32, #tpu.memory_space<hbm>>
      %dma_wait3A_14 = tpu.memref_squeeze %dma_wait3A_13 : memref<1x16xf32, #tpu.memory_space<hbm>> -> memref<16xf32, #tpu.memory_space<hbm>>
      %dma_wait3A_15 = arith.constant 0 : i32
      %dma_wait3A_16 = tpu.memref_slice %arg6[%add3A, %dma_wait3A_15] : memref<32x16xf32, #tpu.memory_space<hbm>> -> memref<1x16xf32, #tpu.memory_space<hbm>>
      %dma_wait3A_17 = tpu.memref_squeeze %dma_wait3A_16 : memref<1x16xf32, #tpu.memory_space<hbm>> -> memref<16xf32, #tpu.memory_space<hbm>>
      tpu.wait_dma2 semaphore(%run_scoped3A : memref<!tpu.dma_semaphore, #tpu.memory_space<semaphore_mem>>) src(%arg11 : memref<16xf32, #tpu.memory_space<vmem>>) dst(%dma_wait3A_17 : memref<16xf32, #tpu.memory_space<hbm>>)
      tpu.yield
    }) : () -> ()
    return
  }
}

module attributes {stable_mosaic.version = 14 : i64} {
  func.func @_argmin_kernel(%arg0: i32, %arg1: memref<1x256x1024xf32, #tpu.memory_space<vmem>>, %arg2: memref<32x512x8xf32, #tpu.memory_space<vmem>>, %arg3: memref<32x512x1xf32, #tpu.memory_space<vmem>>, %arg4: memref<1x32x1x1024xi32, #tpu.memory_space<vmem>>) attributes {dimension_semantics = [#tpu.dimension_semantics<parallel>], iteration_bounds = array<i64: 8>, scalar_prefetch = 0 : i64, scratch_operands = 0 : i64, tpu.core_type = #tpu.core_type<tc>, window_params = [{transform_indices = @transform_0, window_bounds = array<i64: 1, 256, 1024>}, {pipeline_mode = #tpu.pipeline_mode<synchronous>, transform_indices = @transform_1, window_bounds = array<i64: 32, 512, 8>}, {pipeline_mode = #tpu.pipeline_mode<synchronous>, transform_indices = @transform_2, window_bounds = array<i64: 32, 512, 1>}, {transform_indices = @transform_3, window_bounds = array<i64: 1, 32, 1, 1024>}]} {
    %get3A = arith.constant 0 : index
    %get3A_0 = arith.constant 0 : index
    %get3A_1 = arith.constant 0 : index
    %get3A_2 = vector.load %arg1[%get3A, %get3A_0, %get3A_1] : memref<1x256x1024xf32, #tpu.memory_space<vmem>>, vector<1x8x1024xf32>
    %get3A_3 = vector.shape_cast %get3A_2 : vector<1x8x1024xf32> to vector<8x1024xf32>
    %get3A_4 = arith.constant 0 : index
    %get3A_5 = arith.constant 0 : index
    %get3A_6 = arith.constant 0 : index
    %get3A_7 = vector.load %arg2[%get3A_4, %get3A_5, %get3A_6] : memref<32x512x8xf32, #tpu.memory_space<vmem>>, vector<1x512x8xf32>
    %get3A_8 = vector.shape_cast %get3A_7 : vector<1x512x8xf32> to vector<512x8xf32>
    %get3A_9 = arith.constant 0 : index
    %get3A_10 = arith.constant 0 : index
    %get3A_11 = arith.constant 0 : index
    %get3A_12 = vector.load %arg3[%get3A_9, %get3A_10, %get3A_11] : memref<32x512x1xf32, #tpu.memory_space<vmem>>, vector<1x512x1xf32>
    %get3A_13 = vector.shape_cast %get3A_12 : vector<1x512x1xf32> to vector<512x1xf32>
    %dot_general3A = arith.constant dense<0.000000e+00> : vector<512x1024xf32>
    %dot_general3A_14 = tpu.matmul %get3A_8, %get3A_3, %dot_general3A {dimension_numbers = #tpu.dot_dimension_numbers<[1], [0], [0], [1], [0, 0, 1, 1], [], []>, transpose_lhs_hint = false} : vector<512x8xf32>, vector<8x1024xf32>, vector<512x1024xf32> -> vector<512x1024xf32>
    %mul3A = arith.mulf %get3A_3, %get3A_3 : vector<8x1024xf32>
    %reduce_sum3A = arith.constant dense<0.000000e+00> : vector<1024xf32>
    %reduce_sum3A_15 = vector.multi_reduction <add>, %mul3A, %reduce_sum3A [0] : vector<8x1024xf32> to vector<1024xf32>
    %broadcast_in_dim3A = vector.shape_cast %reduce_sum3A_15 : vector<1024xf32> to vector<1x1024xf32>
    %add3A = vector.broadcast %broadcast_in_dim3A : vector<1x1024xf32> to vector<512x1024xf32>
    %add3A_16 = vector.broadcast %get3A_13 : vector<512x1xf32> to vector<512x1024xf32>
    %add3A_17 = arith.addf %add3A, %add3A_16 : vector<512x1024xf32>
    %add3A_18 = arith.addf %add3A_17, %dot_general3A_14 : vector<512x1024xf32>
    %argmin3A = tpu.reduce_index %add3A_18 {axis = 0 : i32, kind = #tpu.reduction_kind<arg_min>} : vector<512x1024xf32> -> vector<1024xi32>
    %swap3A = arith.constant 0 : index
    %swap3A_19 = arith.constant 0 : index
    %swap3A_20 = arith.constant 0 : index
    %swap3A_21 = arith.constant 0 : index
    %swap3A_22 = vector.load %arg4[%swap3A, %swap3A_19, %swap3A_20, %swap3A_21] : memref<1x32x1x1024xi32, #tpu.memory_space<vmem>>, vector<1x1x1x1024xi32>
    %swap3A_23 = vector.shape_cast %swap3A_22 : vector<1x1x1x1024xi32> to vector<1024xi32>
    %swap3A_24 = vector.shape_cast %argmin3A : vector<1024xi32> to vector<1x1x1x1024xi32>
    tpu.vector_store %arg4[%swap3A, %swap3A_19, %swap3A_20, %swap3A_21], %swap3A_24 {strides = array<i32>} : memref<1x32x1x1024xi32, #tpu.memory_space<vmem>>, vector<1x1x1x1024xi32>,
    %get3A_25 = arith.constant 0 : index
    %get3A_26 = arith.constant 8 : index
    %get3A_27 = arith.constant 0 : index
    %get3A_28 = vector.load %arg1[%get3A_25, %get3A_26, %get3A_27] : memref<1x256x1024xf32, #tpu.memory_space<vmem>>, vector<1x8x1024xf32>
    %get3A_29 = vector.shape_cast %get3A_28 : vector<1x8x1024xf32> to vector<8x1024xf32>
    %get3A_30 = arith.constant 1 : index
    %get3A_31 = arith.constant 0 : index
    %get3A_32 = arith.constant 0 : index
    %get3A_33 = vector.load %arg2[%get3A_30, %get3A_31, %get3A_32] : memref<32x512x8xf32, #tpu.memory_space<vmem>>, vector<1x512x8xf32>
    %get3A_34 = vector.shape_cast %get3A_33 : vector<1x512x8xf32> to vector<512x8xf32>
    %get3A_35 = arith.constant 1 : index
    %get3A_36 = arith.constant 0 : index
    %get3A_37 = arith.constant 0 : index
    %get3A_38 = vector.load %arg3[%get3A_35, %get3A_36, %get3A_37] : memref<32x512x1xf32, #tpu.memory_space<vmem>>, vector<1x512x1xf32>
    %get3A_39 = vector.shape_cast %get3A_38 : vector<1x512x1xf32> to vector<512x1xf32>
    %dot_general3A_40 = arith.constant dense<0.000000e+00> : vector<512x1024xf32>
    %dot_general3A_41 = tpu.matmul %get3A_34, %get3A_29, %dot_general3A_40 {dimension_numbers = #tpu.dot_dimension_numbers<[1], [0], [0], [1], [0, 0, 1, 1], [], []>, transpose_lhs_hint = false} : vector<512x8xf32>, vector<8x1024xf32>, vector<512x1024xf32> -> vector<512x1024xf32>
    %mul3A_42 = arith.mulf %get3A_29, %get3A_29 : vector<8x1024xf32>
    %reduce_sum3A_43 = arith.constant dense<0.000000e+00> : vector<1024xf32>
    %reduce_sum3A_44 = vector.multi_reduction <add>, %mul3A_42, %reduce_sum3A_43 [0] : vector<8x1024xf32> to vector<1024xf32>
    %broadcast_in_dim3A_45 = vector.shape_cast %reduce_sum3A_44 : vector<1024xf32> to vector<1x1024xf32>
    %add3A_46 = vector.broadcast %broadcast_in_dim3A_45 : vector<1x1024xf32> to vector<512x1024xf32>
    %add3A_47 = vector.broadcast %get3A_39 : vector<512x1xf32> to vector<512x1024xf32>
    %add3A_48 = arith.addf %add3A_46, %add3A_47 : vector<512x1024xf32>
    %add3A_49 = arith.addf %add3A_48, %dot_general3A_41 : vector<512x1024xf32>
    %argmin3A_50 = tpu.reduce_index %add3A_49 {axis = 0 : i32, kind = #tpu.reduction_kind<arg_min>} : vector<512x1024xf32> -> vector<1024xi32>
    %swap3A_51 = arith.constant 0 : index
    %swap3A_52 = arith.constant 1 : index
    %swap3A_53 = arith.constant 0 : index
    %swap3A_54 = arith.constant 0 : index
    %swap3A_55 = vector.load %arg4[%swap3A_51, %swap3A_52, %swap3A_53, %swap3A_54] : memref<1x32x1x1024xi32, #tpu.memory_space<vmem>>, vector<1x1x1x1024xi32>
    %swap3A_56 = vector.shape_cast %swap3A_55 : vector<1x1x1x1024xi32> to vector<1024xi32>
    %swap3A_57 = vector.shape_cast %argmin3A_50 : vector<1024xi32> to vector<1x1x1x1024xi32>
    tpu.vector_store %arg4[%swap3A_51, %swap3A_52, %swap3A_53, %swap3A_54], %swap3A_57 {strides = array<i32>} : memref<1x32x1x1024xi32, #tpu.memory_space<vmem>>, vector<1x1x1x1024xi32>,
    %get3A_58 = arith.constant 0 : index
    %get3A_59 = arith.constant 16 : index
    %get3A_60 = arith.constant 0 : index
    %get3A_61 = vector.load %arg1[%get3A_58, %get3A_59, %get3A_60] : memref<1x256x1024xf32, #tpu.memory_space<vmem>>, vector<1x8x1024xf32>
    %get3A_62 = vector.shape_cast %get3A_61 : vector<1x8x1024xf32> to vector<8x1024xf32>
    %get3A_63 = arith.constant 2 : index
    %get3A_64 = arith.constant 0 : index
    %get3A_65 = arith.constant 0 : index
    %get3A_66 = vector.load %arg2[%get3A_63, %get3A_64, %get3A_65] : memref<32x512x8xf32, #tpu.memory_space<vmem>>, vector<1x512x8xf32>
    %get3A_67 = vector.shape_cast %get3A_66 : vector<1x512x8xf32> to vector<512x8xf32>
    %get3A_68 = arith.constant 2 : index
    %get3A_69 = arith.constant 0 : index
    %get3A_70 = arith.constant 0 : index
    %get3A_71 = vector.load %arg3[%get3A_68, %get3A_69, %get3A_70] : memref<32x512x1xf32, #tpu.memory_space<vmem>>, vector<1x512x1xf32>
    %get3A_72 = vector.shape_cast %get3A_71 : vector<1x512x1xf32> to vector<512x1xf32>
    %dot_general3A_73 = arith.constant dense<0.000000e+00> : vector<512x1024xf32>
    %dot_general3A_74 = tpu.matmul %get3A_67, %get3A_62, %dot_general3A_73 {dimension_numbers = #tpu.dot_dimension_numbers<[1], [0], [0], [1], [0, 0, 1, 1], [], []>, transpose_lhs_hint = false} : vector<512x8xf32>, vector<8x1024xf32>, vector<512x1024xf32> -> vector<512x1024xf32>
    %mul3A_75 = arith.mulf %get3A_62, %get3A_62 : vector<8x1024xf32>
    %reduce_sum3A_76 = arith.constant dense<0.000000e+00> : vector<1024xf32>
    %reduce_sum3A_77 = vector.multi_reduction <add>, %mul3A_75, %reduce_sum3A_76 [0] : vector<8x1024xf32> to vector<1024xf32>
    %broadcast_in_dim3A_78 = vector.shape_cast %reduce_sum3A_77 : vector<1024xf32> to vector<1x1024xf32>
    %add3A_79 = vector.broadcast %broadcast_in_dim3A_78 : vector<1x1024xf32> to vector<512x1024xf32>
    %add3A_80 = vector.broadcast %get3A_72 : vector<512x1xf32> to vector<512x1024xf32>
    %add3A_81 = arith.addf %add3A_79, %add3A_80 : vector<512x1024xf32>
    %add3A_82 = arith.addf %add3A_81, %dot_general3A_74 : vector<512x1024xf32>
    %argmin3A_83 = tpu.reduce_index %add3A_82 {axis = 0 : i32, kind = #tpu.reduction_kind<arg_min>} : vector<512x1024xf32> -> vector<1024xi32>
    %swap3A_84 = arith.constant 0 : index
    %swap3A_85 = arith.constant 2 : index
    %swap3A_86 = arith.constant 0 : index
    %swap3A_87 = arith.constant 0 : index
    %swap3A_88 = vector.load %arg4[%swap3A_84, %swap3A_85, %swap3A_86, %swap3A_87] : memref<1x32x1x1024xi32, #tpu.memory_space<vmem>>, vector<1x1x1x1024xi32>
    %swap3A_89 = vector.shape_cast %swap3A_88 : vector<1x1x1x1024xi32> to vector<1024xi32>
    %swap3A_90 = vector.shape_cast %argmin3A_83 : vector<1024xi32> to vector<1x1x1x1024xi32>
    tpu.vector_store %arg4[%swap3A_84, %swap3A_85, %swap3A_86, %swap3A_87], %swap3A_90 {strides = array<i32>} : memref<1x32x1x1024xi32, #tpu.memory_space<vmem>>, vector<1x1x1x1024xi32>,
    %get3A_91 = arith.constant 0 : index
    %get3A_92 = arith.constant 24 : index
    %get3A_93 = arith.constant 0 : index
    %get3A_94 = vector.load %arg1[%get3A_91, %get3A_92, %get3A_93] : memref<1x256x1024xf32, #tpu.memory_space<vmem>>, vector<1x8x1024xf32>
    %get3A_95 = vector.shape_cast %get3A_94 : vector<1x8x1024xf32> to vector<8x1024xf32>
    %get3A_96 = arith.constant 3 : index
    %get3A_97 = arith.constant 0 : index
    %get3A_98 = arith.constant 0 : index
    %get3A_99 = vector.load %arg2[%get3A_96, %get3A_97, %get3A_98] : memref<32x512x8xf32, #tpu.memory_space<vmem>>, vector<1x512x8xf32>
    %get3A_100 = vector.shape_cast %get3A_99 : vector<1x512x8xf32> to vector<512x8xf32>
    %get3A_101 = arith.constant 3 : index
    %get3A_102 = arith.constant 0 : index
    %get3A_103 = arith.constant 0 : index
    %get3A_104 = vector.load %arg3[%get3A_101, %get3A_102, %get3A_103] : memref<32x512x1xf32, #tpu.memory_space<vmem>>, vector<1x512x1xf32>
    %get3A_105 = vector.shape_cast %get3A_104 : vector<1x512x1xf32> to vector<512x1xf32>
    %dot_general3A_106 = arith.constant dense<0.000000e+00> : vector<512x1024xf32>
    %dot_general3A_107 = tpu.matmul %get3A_100, %get3A_95, %dot_general3A_106 {dimension_numbers = #tpu.dot_dimension_numbers<[1], [0], [0], [1], [0, 0, 1, 1], [], []>, transpose_lhs_hint = false} : vector<512x8xf32>, vector<8x1024xf32>, vector<512x1024xf32> -> vector<512x1024xf32>
    %mul3A_108 = arith.mulf %get3A_95, %get3A_95 : vector<8x1024xf32>
    %reduce_sum3A_109 = arith.constant dense<0.000000e+00> : vector<1024xf32>
    %reduce_sum3A_110 = vector.multi_reduction <add>, %mul3A_108, %reduce_sum3A_109 [0] : vector<8x1024xf32> to vector<1024xf32>
    %broadcast_in_dim3A_111 = vector.shape_cast %reduce_sum3A_110 : vector<1024xf32> to vector<1x1024xf32>
    %add3A_112 = vector.broadcast %broadcast_in_dim3A_111 : vector<1x1024xf32> to vector<512x1024xf32>
    %add3A_113 = vector.broadcast %get3A_105 : vector<512x1xf32> to vector<512x1024xf32>
    %add3A_114 = arith.addf %add3A_112, %add3A_113 : vector<512x1024xf32>
    %add3A_115 = arith.addf %add3A_114, %dot_general3A_107 : vector<512x1024xf32>
    %argmin3A_116 = tpu.reduce_index %add3A_115 {axis = 0 : i32, kind = #tpu.reduction_kind<arg_min>} : vector<512x1024xf32> -> vector<1024xi32>
    %swap3A_117 = arith.constant 0 : index
    %swap3A_118 = arith.constant 3 : index
    %swap3A_119 = arith.constant 0 : index
    %swap3A_120 = arith.constant 0 : index
    %swap3A_121 = vector.load %arg4[%swap3A_117, %swap3A_118, %swap3A_119, %swap3A_120] : memref<1x32x1x1024xi32, #tpu.memory_space<vmem>>, vector<1x1x1x1024xi32>
    %swap3A_122 = vector.shape_cast %swap3A_121 : vector<1x1x1x1024xi32> to vector<1024xi32>
    %swap3A_123 = vector.shape_cast %argmin3A_116 : vector<1024xi32> to vector<1x1x1x1024xi32>
    tpu.vector_store %arg4[%swap3A_117, %swap3A_118, %swap3A_119, %swap3A_120], %swap3A_123 {strides = array<i32>} : memref<1x32x1x1024xi32, #tpu.memory_space<vmem>>, vector<1x1x1x1024xi32>,
    %get3A_124 = arith.constant 0 : index
    %get3A_125 = arith.constant 32 : index
    %get3A_126 = arith.constant 0 : index
    %get3A_127 = vector.load %arg1[%get3A_124, %get3A_125, %get3A_126] : memref<1x256x1024xf32, #tpu.memory_space<vmem>>, vector<1x8x1024xf32>
    %get3A_128 = vector.shape_cast %get3A_127 : vector<1x8x1024xf32> to vector<8x1024xf32>
    %get3A_129 = arith.constant 4 : index
    %get3A_130 = arith.constant 0 : index
    %get3A_131 = arith.constant 0 : index
    %get3A_132 = vector.load %arg2[%get3A_129, %get3A_130, %get3A_131] : memref<32x512x8xf32, #tpu.memory_space<vmem>>, vector<1x512x8xf32>
    %get3A_133 = vector.shape_cast %get3A_132 : vector<1x512x8xf32> to vector<512x8xf32>
    %get3A_134 = arith.constant 4 : index
    %get3A_135 = arith.constant 0 : index
    %get3A_136 = arith.constant 0 : index
    %get3A_137 = vector.load %arg3[%get3A_134, %get3A_135, %get3A_136] : memref<32x512x1xf32, #tpu.memory_space<vmem>>, vector<1x512x1xf32>
    %get3A_138 = vector.shape_cast %get3A_137 : vector<1x512x1xf32> to vector<512x1xf32>
    %dot_general3A_139 = arith.constant dense<0.000000e+00> : vector<512x1024xf32>
    %dot_general3A_140 = tpu.matmul %get3A_133, %get3A_128, %dot_general3A_139 {dimension_numbers = #tpu.dot_dimension_numbers<[1], [0], [0], [1], [0, 0, 1, 1], [], []>, transpose_lhs_hint = false} : vector<512x8xf32>, vector<8x1024xf32>, vector<512x1024xf32> -> vector<512x1024xf32>
    %mul3A_141 = arith.mulf %get3A_128, %get3A_128 : vector<8x1024xf32>
    %reduce_sum3A_142 = arith.constant dense<0.000000e+00> : vector<1024xf32>
    %reduce_sum3A_143 = vector.multi_reduction <add>, %mul3A_141, %reduce_sum3A_142 [0] : vector<8x1024xf32> to vector<1024xf32>
    %broadcast_in_dim3A_144 = vector.shape_cast %reduce_sum3A_143 : vector<1024xf32> to vector<1x1024xf32>
    %add3A_145 = vector.broadcast %broadcast_in_dim3A_144 : vector<1x1024xf32> to vector<512x1024xf32>
    %add3A_146 = vector.broadcast %get3A_138 : vector<512x1xf32> to vector<512x1024xf32>
    %add3A_147 = arith.addf %add3A_145, %add3A_146 : vector<512x1024xf32>
    %add3A_148 = arith.addf %add3A_147, %dot_general3A_140 : vector<512x1024xf32>
    %argmin3A_149 = tpu.reduce_index %add3A_148 {axis = 0 : i32, kind = #tpu.reduction_kind<arg_min>} : vector<512x1024xf32> -> vector<1024xi32>
    %swap3A_150 = arith.constant 0 : index
    %swap3A_151 = arith.constant 4 : index
    %swap3A_152 = arith.constant 0 : index
    %swap3A_153 = arith.constant 0 : index
    %swap3A_154 = vector.load %arg4[%swap3A_150, %swap3A_151, %swap3A_152, %swap3A_153] : memref<1x32x1x1024xi32, #tpu.memory_space<vmem>>, vector<1x1x1x1024xi32>
    %swap3A_155 = vector.shape_cast %swap3A_154 : vector<1x1x1x1024xi32> to vector<1024xi32>
    %swap3A_156 = vector.shape_cast %argmin3A_149 : vector<1024xi32> to vector<1x1x1x1024xi32>
    tpu.vector_store %arg4[%swap3A_150, %swap3A_151, %swap3A_152, %swap3A_153], %swap3A_156 {strides = array<i32>} : memref<1x32x1x1024xi32, #tpu.memory_space<vmem>>, vector<1x1x1x1024xi32>,
    %get3A_157 = arith.constant 0 : index
    %get3A_158 = arith.constant 40 : index
    %get3A_159 = arith.constant 0 : index
    %get3A_160 = vector.load %arg1[%get3A_157, %get3A_158, %get3A_159] : memref<1x256x1024xf32, #tpu.memory_space<vmem>>, vector<1x8x1024xf32>
    %get3A_161 = vector.shape_cast %get3A_160 : vector<1x8x1024xf32> to vector<8x1024xf32>
    %get3A_162 = arith.constant 5 : index
    %get3A_163 = arith.constant 0 : index
    %get3A_164 = arith.constant 0 : index
    %get3A_165 = vector.load %arg2[%get3A_162, %get3A_163, %get3A_164] : memref<32x512x8xf32, #tpu.memory_space<vmem>>, vector<1x512x8xf32>
    %get3A_166 = vector.shape_cast %get3A_165 : vector<1x512x8xf32> to vector<512x8xf32>
    %get3A_167 = arith.constant 5 : index
    %get3A_168 = arith.constant 0 : index
    %get3A_169 = arith.constant 0 : index
    %get3A_170 = vector.load %arg3[%get3A_167, %get3A_168, %get3A_169] : memref<32x512x1xf32, #tpu.memory_space<vmem>>, vector<1x512x1xf32>
    %get3A_171 = vector.shape_cast %get3A_170 : vector<1x512x1xf32> to vector<512x1xf32>
    %dot_general3A_172 = arith.constant dense<0.000000e+00> : vector<512x1024xf32>
    %dot_general3A_173 = tpu.matmul %get3A_166, %get3A_161, %dot_general3A_172 {dimension_numbers = #tpu.dot_dimension_numbers<[1], [0], [0], [1], [0, 0, 1, 1], [], []>, transpose_lhs_hint = false} : vector<512x8xf32>, vector<8x1024xf32>, vector<512x1024xf32> -> vector<512x1024xf32>
    %mul3A_174 = arith.mulf %get3A_161, %get3A_161 : vector<8x1024xf32>
    %reduce_sum3A_175 = arith.constant dense<0.000000e+00> : vector<1024xf32>
    %reduce_sum3A_176 = vector.multi_reduction <add>, %mul3A_174, %reduce_sum3A_175 [0] : vector<8x1024xf32> to vector<1024xf32>
    %broadcast_in_dim3A_177 = vector.shape_cast %reduce_sum3A_176 : vector<1024xf32> to vector<1x1024xf32>
    %add3A_178 = vector.broadcast %broadcast_in_dim3A_177 : vector<1x1024xf32> to vector<512x1024xf32>
    %add3A_179 = vector.broadcast %get3A_171 : vector<512x1xf32> to vector<512x1024xf32>
    %add3A_180 = arith.addf %add3A_178, %add3A_179 : vector<512x1024xf32>
    %add3A_181 = arith.addf %add3A_180, %dot_general3A_173 : vector<512x1024xf32>
    %argmin3A_182 = tpu.reduce_index %add3A_181 {axis = 0 : i32, kind = #tpu.reduction_kind<arg_min>} : vector<512x1024xf32> -> vector<1024xi32>
    %swap3A_183 = arith.constant 0 : index
    %swap3A_184 = arith.constant 5 : index
    %swap3A_185 = arith.constant 0 : index
    %swap3A_186 = arith.constant 0 : index
    %swap3A_187 = vector.load %arg4[%swap3A_183, %swap3A_184, %swap3A_185, %swap3A_186] : memref<1x32x1x1024xi32, #tpu.memory_space<vmem>>, vector<1x1x1x1024xi32>
    %swap3A_188 = vector.shape_cast %swap3A_187 : vector<1x1x1x1024xi32> to vector<1024xi32>
    %swap3A_189 = vector.shape_cast %argmin3A_182 : vector<1024xi32> to vector<1x1x1x1024xi32>
    tpu.vector_store %arg4[%swap3A_183, %swap3A_184, %swap3A_185, %swap3A_186], %swap3A_189 {strides = array<i32>} : memref<1x32x1x1024xi32, #tpu.memory_space<vmem>>, vector<1x1x1x1024xi32>,
    %get3A_190 = arith.constant 0 : index
    %get3A_191 = arith.constant 48 : index
    %get3A_192 = arith.constant 0 : index
    %get3A_193 = vector.load %arg1[%get3A_190, %get3A_191, %get3A_192] : memref<1x256x1024xf32, #tpu.memory_space<vmem>>, vector<1x8x1024xf32>
    %get3A_194 = vector.shape_cast %get3A_193 : vector<1x8x1024xf32> to vector<8x1024xf32>
    %get3A_195 = arith.constant 6 : index
    %get3A_196 = arith.constant 0 : index
    %get3A_197 = arith.constant 0 : index
    %get3A_198 = vector.load %arg2[%get3A_195, %get3A_196, %get3A_197] : memref<32x512x8xf32, #tpu.memory_space<vmem>>, vector<1x512x8xf32>
    %get3A_199 = vector.shape_cast %get3A_198 : vector<1x512x8xf32> to vector<512x8xf32>
    %get3A_200 = arith.constant 6 : index
    %get3A_201 = arith.constant 0 : index
    %get3A_202 = arith.constant 0 : index
    %get3A_203 = vector.load %arg3[%get3A_200, %get3A_201, %get3A_202] : memref<32x512x1xf32, #tpu.memory_space<vmem>>, vector<1x512x1xf32>
    %get3A_204 = vector.shape_cast %get3A_203 : vector<1x512x1xf32> to vector<512x1xf32>
    %dot_general3A_205 = arith.constant dense<0.000000e+00> : vector<512x1024xf32>
    %dot_general3A_206 = tpu.matmul %get3A_199, %get3A_194, %dot_general3A_205 {dimension_numbers = #tpu.dot_dimension_numbers<[1], [0], [0], [1], [0, 0, 1, 1], [], []>, transpose_lhs_hint = false} : vector<512x8xf32>, vector<8x1024xf32>, vector<512x1024xf32> -> vector<512x1024xf32>
    %mul3A_207 = arith.mulf %get3A_194, %get3A_194 : vector<8x1024xf32>
    %reduce_sum3A_208 = arith.constant dense<0.000000e+00> : vector<1024xf32>
    %reduce_sum3A_209 = vector.multi_reduction <add>, %mul3A_207, %reduce_sum3A_208 [0] : vector<8x1024xf32> to vector<1024xf32>
    %broadcast_in_dim3A_210 = vector.shape_cast %reduce_sum3A_209 : vector<1024xf32> to vector<1x1024xf32>
    %add3A_211 = vector.broadcast %broadcast_in_dim3A_210 : vector<1x1024xf32> to vector<512x1024xf32>
    %add3A_212 = vector.broadcast %get3A_204 : vector<512x1xf32> to vector<512x1024xf32>
    %add3A_213 = arith.addf %add3A_211, %add3A_212 : vector<512x1024xf32>
    %add3A_214 = arith.addf %add3A_213, %dot_general3A_206 : vector<512x1024xf32>
    %argmin3A_215 = tpu.reduce_index %add3A_214 {axis = 0 : i32, kind = #tpu.reduction_kind<arg_min>} : vector<512x1024xf32> -> vector<1024xi32>
    %swap3A_216 = arith.constant 0 : index
    %swap3A_217 = arith.constant 6 : index
    %swap3A_218 = arith.constant 0 : index
    %swap3A_219 = arith.constant 0 : index
    %swap3A_220 = vector.load %arg4[%swap3A_216, %swap3A_217, %swap3A_218, %swap3A_219] : memref<1x32x1x1024xi32, #tpu.memory_space<vmem>>, vector<1x1x1x1024xi32>
    %swap3A_221 = vector.shape_cast %swap3A_220 : vector<1x1x1x1024xi32> to vector<1024xi32>
    %swap3A_222 = vector.shape_cast %argmin3A_215 : vector<1024xi32> to vector<1x1x1x1024xi32>
    tpu.vector_store %arg4[%swap3A_216, %swap3A_217, %swap3A_218, %swap3A_219], %swap3A_222 {strides = array<i32>} : memref<1x32x1x1024xi32, #tpu.memory_space<vmem>>, vector<1x1x1x1024xi32>,
    %get3A_223 = arith.constant 0 : index
    %get3A_224 = arith.constant 56 : index
    %get3A_225 = arith.constant 0 : index
    %get3A_226 = vector.load %arg1[%get3A_223, %get3A_224, %get3A_225] : memref<1x256x1024xf32, #tpu.memory_space<vmem>>, vector<1x8x1024xf32>
    %get3A_227 = vector.shape_cast %get3A_226 : vector<1x8x1024xf32> to vector<8x1024xf32>
    %get3A_228 = arith.constant 7 : index
    %get3A_229 = arith.constant 0 : index
    %get3A_230 = arith.constant 0 : index
    %get3A_231 = vector.load %arg2[%get3A_228, %get3A_229, %get3A_230] : memref<32x512x8xf32, #tpu.memory_space<vmem>>, vector<1x512x8xf32>
    %get3A_232 = vector.shape_cast %get3A_231 : vector<1x512x8xf32> to vector<512x8xf32>
    %get3A_233 = arith.constant 7 : index
    %get3A_234 = arith.constant 0 : index
    %get3A_235 = arith.constant 0 : index
    %get3A_236 = vector.load %arg3[%get3A_233, %get3A_234, %get3A_235] : memref<32x512x1xf32, #tpu.memory_space<vmem>>, vector<1x512x1xf32>
    %get3A_237 = vector.shape_cast %get3A_236 : vector<1x512x1xf32> to vector<512x1xf32>
    %dot_general3A_238 = arith.constant dense<0.000000e+00> : vector<512x1024xf32>
    %dot_general3A_239 = tpu.matmul %get3A_232, %get3A_227, %dot_general3A_238 {dimension_numbers = #tpu.dot_dimension_numbers<[1], [0], [0], [1], [0, 0, 1, 1], [], []>, transpose_lhs_hint = false} : vector<512x8xf32>, vector<8x1024xf32>, vector<512x1024xf32> -> vector<512x1024xf32>
    %mul3A_240 = arith.mulf %get3A_227, %get3A_227 : vector<8x1024xf32>
    %reduce_sum3A_241 = arith.constant dense<0.000000e+00> : vector<1024xf32>
    %reduce_sum3A_242 = vector.multi_reduction <add>, %mul3A_240, %reduce_sum3A_241 [0] : vector<8x1024xf32> to vector<1024xf32>
    %broadcast_in_dim3A_243 = vector.shape_cast %reduce_sum3A_242 : vector<1024xf32> to vector<1x1024xf32>
    %add3A_244 = vector.broadcast %broadcast_in_dim3A_243 : vector<1x1024xf32> to vector<512x1024xf32>
    %add3A_245 = vector.broadcast %get3A_237 : vector<512x1xf32> to vector<512x1024xf32>
    %add3A_246 = arith.addf %add3A_244, %add3A_245 : vector<512x1024xf32>
    %add3A_247 = arith.addf %add3A_246, %dot_general3A_239 : vector<512x1024xf32>
    %argmin3A_248 = tpu.reduce_index %add3A_247 {axis = 0 : i32, kind = #tpu.reduction_kind<arg_min>} : vector<512x1024xf32> -> vector<1024xi32>
    %swap3A_249 = arith.constant 0 : index
    %swap3A_250 = arith.constant 7 : index
    %swap3A_251 = arith.constant 0 : index
    %swap3A_252 = arith.constant 0 : index
    %swap3A_253 = vector.load %arg4[%swap3A_249, %swap3A_250, %swap3A_251, %swap3A_252] : memref<1x32x1x1024xi32, #tpu.memory_space<vmem>>, vector<1x1x1x1024xi32>
    %swap3A_254 = vector.shape_cast %swap3A_253 : vector<1x1x1x1024xi32> to vector<1024xi32>
    %swap3A_255 = vector.shape_cast %argmin3A_248 : vector<1024xi32> to vector<1x1x1x1024xi32>
    tpu.vector_store %arg4[%swap3A_249, %swap3A_250, %swap3A_251, %swap3A_252], %swap3A_255 {strides = array<i32>} : memref<1x32x1x1024xi32, #tpu.memory_space<vmem>>, vector<1x1x1x1024xi32>,
    %get3A_256 = arith.constant 0 : index
    %get3A_257 = arith.constant 64 : index
    %get3A_258 = arith.constant 0 : index
    %get3A_259 = vector.load %arg1[%get3A_256, %get3A_257, %get3A_258] : memref<1x256x1024xf32, #tpu.memory_space<vmem>>, vector<1x8x1024xf32>
    %get3A_260 = vector.shape_cast %get3A_259 : vector<1x8x1024xf32> to vector<8x1024xf32>
    %get3A_261 = arith.constant 8 : index
    %get3A_262 = arith.constant 0 : index
    %get3A_263 = arith.constant 0 : index
    %get3A_264 = vector.load %arg2[%get3A_261, %get3A_262, %get3A_263] : memref<32x512x8xf32, #tpu.memory_space<vmem>>, vector<1x512x8xf32>
    %get3A_265 = vector.shape_cast %get3A_264 : vector<1x512x8xf32> to vector<512x8xf32>
    %get3A_266 = arith.constant 8 : index
    %get3A_267 = arith.constant 0 : index
    %get3A_268 = arith.constant 0 : index
    %get3A_269 = vector.load %arg3[%get3A_266, %get3A_267, %get3A_268] : memref<32x512x1xf32, #tpu.memory_space<vmem>>, vector<1x512x1xf32>
    %get3A_270 = vector.shape_cast %get3A_269 : vector<1x512x1xf32> to vector<512x1xf32>
    %dot_general3A_271 = arith.constant dense<0.000000e+00> : vector<512x1024xf32>
    %dot_general3A_272 = tpu.matmul %get3A_265, %get3A_260, %dot_general3A_271 {dimension_numbers = #tpu.dot_dimension_numbers<[1], [0], [0], [1], [0, 0, 1, 1], [], []>, transpose_lhs_hint = false} : vector<512x8xf32>, vector<8x1024xf32>, vector<512x1024xf32> -> vector<512x1024xf32>
    %mul3A_273 = arith.mulf %get3A_260, %get3A_260 : vector<8x1024xf32>
    %reduce_sum3A_274 = arith.constant dense<0.000000e+00> : vector<1024xf32>
    %reduce_sum3A_275 = vector.multi_reduction <add>, %mul3A_273, %reduce_sum3A_274 [0] : vector<8x1024xf32> to vector<1024xf32>
    %broadcast_in_dim3A_276 = vector.shape_cast %reduce_sum3A_275 : vector<1024xf32> to vector<1x1024xf32>
    %add3A_277 = vector.broadcast %broadcast_in_dim3A_276 : vector<1x1024xf32> to vector<512x1024xf32>
    %add3A_278 = vector.broadcast %get3A_270 : vector<512x1xf32> to vector<512x1024xf32>
    %add3A_279 = arith.addf %add3A_277, %add3A_278 : vector<512x1024xf32>
    %add3A_280 = arith.addf %add3A_279, %dot_general3A_272 : vector<512x1024xf32>
    %argmin3A_281 = tpu.reduce_index %add3A_280 {axis = 0 : i32, kind = #tpu.reduction_kind<arg_min>} : vector<512x1024xf32> -> vector<1024xi32>
    %swap3A_282 = arith.constant 0 : index
    %swap3A_283 = arith.constant 8 : index
    %swap3A_284 = arith.constant 0 : index
    %swap3A_285 = arith.constant 0 : index
    %swap3A_286 = vector.load %arg4[%swap3A_282, %swap3A_283, %swap3A_284, %swap3A_285] : memref<1x32x1x1024xi32, #tpu.memory_space<vmem>>, vector<1x1x1x1024xi32>
    %swap3A_287 = vector.shape_cast %swap3A_286 : vector<1x1x1x1024xi32> to vector<1024xi32>
    %swap3A_288 = vector.shape_cast %argmin3A_281 : vector<1024xi32> to vector<1x1x1x1024xi32>
    tpu.vector_store %arg4[%swap3A_282, %swap3A_283, %swap3A_284, %swap3A_285], %swap3A_288 {strides = array<i32>} : memref<1x32x1x1024xi32, #tpu.memory_space<vmem>>, vector<1x1x1x1024xi32>,
    %get3A_289 = arith.constant 0 : index
    %get3A_290 = arith.constant 72 : index
    %get3A_291 = arith.constant 0 : index
    %get3A_292 = vector.load %arg1[%get3A_289, %get3A_290, %get3A_291] : memref<1x256x1024xf32, #tpu.memory_space<vmem>>, vector<1x8x1024xf32>
    %get3A_293 = vector.shape_cast %get3A_292 : vector<1x8x1024xf32> to vector<8x1024xf32>
    %get3A_294 = arith.constant 9 : index
    %get3A_295 = arith.constant 0 : index
    %get3A_296 = arith.constant 0 : index
    %get3A_297 = vector.load %arg2[%get3A_294, %get3A_295, %get3A_296] : memref<32x512x8xf32, #tpu.memory_space<vmem>>, vector<1x512x8xf32>
    %get3A_298 = vector.shape_cast %get3A_297 : vector<1x512x8xf32> to vector<512x8xf32>
    %get3A_299 = arith.constant 9 : index
    %get3A_300 = arith.constant 0 : index
    %get3A_301 = arith.constant 0 : index
    %get3A_302 = vector.load %arg3[%get3A_299, %get3A_300, %get3A_301] : memref<32x512x1xf32, #tpu.memory_space<vmem>>, vector<1x512x1xf32>
    %get3A_303 = vector.shape_cast %get3A_302 : vector<1x512x1xf32> to vector<512x1xf32>
    %dot_general3A_304 = arith.constant dense<0.000000e+00> : vector<512x1024xf32>
    %dot_general3A_305 = tpu.matmul %get3A_298, %get3A_293, %dot_general3A_304 {dimension_numbers = #tpu.dot_dimension_numbers<[1], [0], [0], [1], [0, 0, 1, 1], [], []>, transpose_lhs_hint = false} : vector<512x8xf32>, vector<8x1024xf32>, vector<512x1024xf32> -> vector<512x1024xf32>
    %mul3A_306 = arith.mulf %get3A_293, %get3A_293 : vector<8x1024xf32>
    %reduce_sum3A_307 = arith.constant dense<0.000000e+00> : vector<1024xf32>
    %reduce_sum3A_308 = vector.multi_reduction <add>, %mul3A_306, %reduce_sum3A_307 [0] : vector<8x1024xf32> to vector<1024xf32>
    %broadcast_in_dim3A_309 = vector.shape_cast %reduce_sum3A_308 : vector<1024xf32> to vector<1x1024xf32>
    %add3A_310 = vector.broadcast %broadcast_in_dim3A_309 : vector<1x1024xf32> to vector<512x1024xf32>
    %add3A_311 = vector.broadcast %get3A_303 : vector<512x1xf32> to vector<512x1024xf32>
    %add3A_312 = arith.addf %add3A_310, %add3A_311 : vector<512x1024xf32>
    %add3A_313 = arith.addf %add3A_312, %dot_general3A_305 : vector<512x1024xf32>
    %argmin3A_314 = tpu.reduce_index %add3A_313 {axis = 0 : i32, kind = #tpu.reduction_kind<arg_min>} : vector<512x1024xf32> -> vector<1024xi32>
    %swap3A_315 = arith.constant 0 : index
    %swap3A_316 = arith.constant 9 : index
    %swap3A_317 = arith.constant 0 : index
    %swap3A_318 = arith.constant 0 : index
    %swap3A_319 = vector.load %arg4[%swap3A_315, %swap3A_316, %swap3A_317, %swap3A_318] : memref<1x32x1x1024xi32, #tpu.memory_space<vmem>>, vector<1x1x1x1024xi32>
    %swap3A_320 = vector.shape_cast %swap3A_319 : vector<1x1x1x1024xi32> to vector<1024xi32>
    %swap3A_321 = vector.shape_cast %argmin3A_314 : vector<1024xi32> to vector<1x1x1x1024xi32>
    tpu.vector_store %arg4[%swap3A_315, %swap3A_316, %swap3A_317, %swap3A_318], %swap3A_321 {strides = array<i32>} : memref<1x32x1x1024xi32, #tpu.memory_space<vmem>>, vector<1x1x1x1024xi32>,
    %get3A_322 = arith.constant 0 : index
    %get3A_323 = arith.constant 80 : index
    %get3A_324 = arith.constant 0 : index
    %get3A_325 = vector.load %arg1[%get3A_322, %get3A_323, %get3A_324] : memref<1x256x1024xf32, #tpu.memory_space<vmem>>, vector<1x8x1024xf32>
    %get3A_326 = vector.shape_cast %get3A_325 : vector<1x8x1024xf32> to vector<8x1024xf32>
    %get3A_327 = arith.constant 10 : index
    %get3A_328 = arith.constant 0 : index
    %get3A_329 = arith.constant 0 : index
    %get3A_330 = vector.load %arg2[%get3A_327, %get3A_328, %get3A_329] : memref<32x512x8xf32, #tpu.memory_space<vmem>>, vector<1x512x8xf32>
    %get3A_331 = vector.shape_cast %get3A_330 : vector<1x512x8xf32> to vector<512x8xf32>
    %get3A_332 = arith.constant 10 : index
    %get3A_333 = arith.constant 0 : index
    %get3A_334 = arith.constant 0 : index
    %get3A_335 = vector.load %arg3[%get3A_332, %get3A_333, %get3A_334] : memref<32x512x1xf32, #tpu.memory_space<vmem>>, vector<1x512x1xf32>
    %get3A_336 = vector.shape_cast %get3A_335 : vector<1x512x1xf32> to vector<512x1xf32>
    %dot_general3A_337 = arith.constant dense<0.000000e+00> : vector<512x1024xf32>
    %dot_general3A_338 = tpu.matmul %get3A_331, %get3A_326, %dot_general3A_337 {dimension_numbers = #tpu.dot_dimension_numbers<[1], [0], [0], [1], [0, 0, 1, 1], [], []>, transpose_lhs_hint = false} : vector<512x8xf32>, vector<8x1024xf32>, vector<512x1024xf32> -> vector<512x1024xf32>
    %mul3A_339 = arith.mulf %get3A_326, %get3A_326 : vector<8x1024xf32>
    %reduce_sum3A_340 = arith.constant dense<0.000000e+00> : vector<1024xf32>
    %reduce_sum3A_341 = vector.multi_reduction <add>, %mul3A_339, %reduce_sum3A_340 [0] : vector<8x1024xf32> to vector<1024xf32>
    %broadcast_in_dim3A_342 = vector.shape_cast %reduce_sum3A_341 : vector<1024xf32> to vector<1x1024xf32>
    %add3A_343 = vector.broadcast %broadcast_in_dim3A_342 : vector<1x1024xf32> to vector<512x1024xf32>
    %add3A_344 = vector.broadcast %get3A_336 : vector<512x1xf32> to vector<512x1024xf32>
    %add3A_345 = arith.addf %add3A_343, %add3A_344 : vector<512x1024xf32>
    %add3A_346 = arith.addf %add3A_345, %dot_general3A_338 : vector<512x1024xf32>
    %argmin3A_347 = tpu.reduce_index %add3A_346 {axis = 0 : i32, kind = #tpu.reduction_kind<arg_min>} : vector<512x1024xf32> -> vector<1024xi32>
    %swap3A_348 = arith.constant 0 : index
    %swap3A_349 = arith.constant 10 : index
    %swap3A_350 = arith.constant 0 : index
    %swap3A_351 = arith.constant 0 : index
    %swap3A_352 = vector.load %arg4[%swap3A_348, %swap3A_349, %swap3A_350, %swap3A_351] : memref<1x32x1x1024xi32, #tpu.memory_space<vmem>>, vector<1x1x1x1024xi32>
    %swap3A_353 = vector.shape_cast %swap3A_352 : vector<1x1x1x1024xi32> to vector<1024xi32>
    %swap3A_354 = vector.shape_cast %argmin3A_347 : vector<1024xi32> to vector<1x1x1x1024xi32>
    tpu.vector_store %arg4[%swap3A_348, %swap3A_349, %swap3A_350, %swap3A_351], %swap3A_354 {strides = array<i32>} : memref<1x32x1x1024xi32, #tpu.memory_space<vmem>>, vector<1x1x1x1024xi32>,
    %get3A_355 = arith.constant 0 : index
    %get3A_356 = arith.constant 88 : index
    %get3A_357 = arith.constant 0 : index
    %get3A_358 = vector.load %arg1[%get3A_355, %get3A_356, %get3A_357] : memref<1x256x1024xf32, #tpu.memory_space<vmem>>, vector<1x8x1024xf32>
    %get3A_359 = vector.shape_cast %get3A_358 : vector<1x8x1024xf32> to vector<8x1024xf32>
    %get3A_360 = arith.constant 11 : index
    %get3A_361 = arith.constant 0 : index
    %get3A_362 = arith.constant 0 : index
    %get3A_363 = vector.load %arg2[%get3A_360, %get3A_361, %get3A_362] : memref<32x512x8xf32, #tpu.memory_space<vmem>>, vector<1x512x8xf32>
    %get3A_364 = vector.shape_cast %get3A_363 : vector<1x512x8xf32> to vector<512x8xf32>
    %get3A_365 = arith.constant 11 : index
    %get3A_366 = arith.constant 0 : index
    %get3A_367 = arith.constant 0 : index
    %get3A_368 = vector.load %arg3[%get3A_365, %get3A_366, %get3A_367] : memref<32x512x1xf32, #tpu.memory_space<vmem>>, vector<1x512x1xf32>
    %get3A_369 = vector.shape_cast %get3A_368 : vector<1x512x1xf32> to vector<512x1xf32>
    %dot_general3A_370 = arith.constant dense<0.000000e+00> : vector<512x1024xf32>
    %dot_general3A_371 = tpu.matmul %get3A_364, %get3A_359, %dot_general3A_370 {dimension_numbers = #tpu.dot_dimension_numbers<[1], [0], [0], [1], [0, 0, 1, 1], [], []>, transpose_lhs_hint = false} : vector<512x8xf32>, vector<8x1024xf32>, vector<512x1024xf32> -> vector<512x1024xf32>
    %mul3A_372 = arith.mulf %get3A_359, %get3A_359 : vector<8x1024xf32>
    %reduce_sum3A_373 = arith.constant dense<0.000000e+00> : vector<1024xf32>
    %reduce_sum3A_374 = vector.multi_reduction <add>, %mul3A_372, %reduce_sum3A_373 [0] : vector<8x1024xf32> to vector<1024xf32>
    %broadcast_in_dim3A_375 = vector.shape_cast %reduce_sum3A_374 : vector<1024xf32> to vector<1x1024xf32>
    %add3A_376 = vector.broadcast %broadcast_in_dim3A_375 : vector<1x1024xf32> to vector<512x1024xf32>
    %add3A_377 = vector.broadcast %get3A_369 : vector<512x1xf32> to vector<512x1024xf32>
    %add3A_378 = arith.addf %add3A_376, %add3A_377 : vector<512x1024xf32>
    %add3A_379 = arith.addf %add3A_378, %dot_general3A_371 : vector<512x1024xf32>
    %argmin3A_380 = tpu.reduce_index %add3A_379 {axis = 0 : i32, kind = #tpu.reduction_kind<arg_min>} : vector<512x1024xf32> -> vector<1024xi32>
    %swap3A_381 = arith.constant 0 : index
    %swap3A_382 = arith.constant 11 : index
    %swap3A_383 = arith.constant 0 : index
    %swap3A_384 = arith.constant 0 : index
    %swap3A_385 = vector.load %arg4[%swap3A_381, %swap3A_382, %swap3A_383, %swap3A_384] : memref<1x32x1x1024xi32, #tpu.memory_space<vmem>>, vector<1x1x1x1024xi32>
    %swap3A_386 = vector.shape_cast %swap3A_385 : vector<1x1x1x1024xi32> to vector<1024xi32>
    %swap3A_387 = vector.shape_cast %argmin3A_380 : vector<1024xi32> to vector<1x1x1x1024xi32>
    tpu.vector_store %arg4[%swap3A_381, %swap3A_382, %swap3A_383, %swap3A_384], %swap3A_387 {strides = array<i32>} : memref<1x32x1x1024xi32, #tpu.memory_space<vmem>>, vector<1x1x1x1024xi32>,
    %get3A_388 = arith.constant 0 : index
    %get3A_389 = arith.constant 96 : index
    %get3A_390 = arith.constant 0 : index
    %get3A_391 = vector.load %arg1[%get3A_388, %get3A_389, %get3A_390] : memref<1x256x1024xf32, #tpu.memory_space<vmem>>, vector<1x8x1024xf32>
    %get3A_392 = vector.shape_cast %get3A_391 : vector<1x8x1024xf32> to vector<8x1024xf32>
    %get3A_393 = arith.constant 12 : index
    %get3A_394 = arith.constant 0 : index
    %get3A_395 = arith.constant 0 : index
    %get3A_396 = vector.load %arg2[%get3A_393, %get3A_394, %get3A_395] : memref<32x512x8xf32, #tpu.memory_space<vmem>>, vector<1x512x8xf32>
    %get3A_397 = vector.shape_cast %get3A_396 : vector<1x512x8xf32> to vector<512x8xf32>
    %get3A_398 = arith.constant 12 : index
    %get3A_399 = arith.constant 0 : index
    %get3A_400 = arith.constant 0 : index
    %get3A_401 = vector.load %arg3[%get3A_398, %get3A_399, %get3A_400] : memref<32x512x1xf32, #tpu.memory_space<vmem>>, vector<1x512x1xf32>
    %get3A_402 = vector.shape_cast %get3A_401 : vector<1x512x1xf32> to vector<512x1xf32>
    %dot_general3A_403 = arith.constant dense<0.000000e+00> : vector<512x1024xf32>
    %dot_general3A_404 = tpu.matmul %get3A_397, %get3A_392, %dot_general3A_403 {dimension_numbers = #tpu.dot_dimension_numbers<[1], [0], [0], [1], [0, 0, 1, 1], [], []>, transpose_lhs_hint = false} : vector<512x8xf32>, vector<8x1024xf32>, vector<512x1024xf32> -> vector<512x1024xf32>
    %mul3A_405 = arith.mulf %get3A_392, %get3A_392 : vector<8x1024xf32>
    %reduce_sum3A_406 = arith.constant dense<0.000000e+00> : vector<1024xf32>
    %reduce_sum3A_407 = vector.multi_reduction <add>, %mul3A_405, %reduce_sum3A_406 [0] : vector<8x1024xf32> to vector<1024xf32>
    %broadcast_in_dim3A_408 = vector.shape_cast %reduce_sum3A_407 : vector<1024xf32> to vector<1x1024xf32>
    %add3A_409 = vector.broadcast %broadcast_in_dim3A_408 : vector<1x1024xf32> to vector<512x1024xf32>
    %add3A_410 = vector.broadcast %get3A_402 : vector<512x1xf32> to vector<512x1024xf32>
    %add3A_411 = arith.addf %add3A_409, %add3A_410 : vector<512x1024xf32>
    %add3A_412 = arith.addf %add3A_411, %dot_general3A_404 : vector<512x1024xf32>
    %argmin3A_413 = tpu.reduce_index %add3A_412 {axis = 0 : i32, kind = #tpu.reduction_kind<arg_min>} : vector<512x1024xf32> -> vector<1024xi32>
    %swap3A_414 = arith.constant 0 : index
    %swap3A_415 = arith.constant 12 : index
    %swap3A_416 = arith.constant 0 : index
    %swap3A_417 = arith.constant 0 : index
    %swap3A_418 = vector.load %arg4[%swap3A_414, %swap3A_415, %swap3A_416, %swap3A_417] : memref<1x32x1x1024xi32, #tpu.memory_space<vmem>>, vector<1x1x1x1024xi32>
    %swap3A_419 = vector.shape_cast %swap3A_418 : vector<1x1x1x1024xi32> to vector<1024xi32>
    %swap3A_420 = vector.shape_cast %argmin3A_413 : vector<1024xi32> to vector<1x1x1x1024xi32>
    tpu.vector_store %arg4[%swap3A_414, %swap3A_415, %swap3A_416, %swap3A_417], %swap3A_420 {strides = array<i32>} : memref<1x32x1x1024xi32, #tpu.memory_space<vmem>>, vector<1x1x1x1024xi32>,
    %get3A_421 = arith.constant 0 : index
    %get3A_422 = arith.constant 104 : index
    %get3A_423 = arith.constant 0 : index
    %get3A_424 = vector.load %arg1[%get3A_421, %get3A_422, %get3A_423] : memref<1x256x1024xf32, #tpu.memory_space<vmem>>, vector<1x8x1024xf32>
    %get3A_425 = vector.shape_cast %get3A_424 : vector<1x8x1024xf32> to vector<8x1024xf32>
    %get3A_426 = arith.constant 13 : index
    %get3A_427 = arith.constant 0 : index
    %get3A_428 = arith.constant 0 : index
    %get3A_429 = vector.load %arg2[%get3A_426, %get3A_427, %get3A_428] : memref<32x512x8xf32, #tpu.memory_space<vmem>>, vector<1x512x8xf32>
    %get3A_430 = vector.shape_cast %get3A_429 : vector<1x512x8xf32> to vector<512x8xf32>
    %get3A_431 = arith.constant 13 : index
    %get3A_432 = arith.constant 0 : index
    %get3A_433 = arith.constant 0 : index
    %get3A_434 = vector.load %arg3[%get3A_431, %get3A_432, %get3A_433] : memref<32x512x1xf32, #tpu.memory_space<vmem>>, vector<1x512x1xf32>
    %get3A_435 = vector.shape_cast %get3A_434 : vector<1x512x1xf32> to vector<512x1xf32>
    %dot_general3A_436 = arith.constant dense<0.000000e+00> : vector<512x1024xf32>
    %dot_general3A_437 = tpu.matmul %get3A_430, %get3A_425, %dot_general3A_436 {dimension_numbers = #tpu.dot_dimension_numbers<[1], [0], [0], [1], [0, 0, 1, 1], [], []>, transpose_lhs_hint = false} : vector<512x8xf32>, vector<8x1024xf32>, vector<512x1024xf32> -> vector<512x1024xf32>
    %mul3A_438 = arith.mulf %get3A_425, %get3A_425 : vector<8x1024xf32>
    %reduce_sum3A_439 = arith.constant dense<0.000000e+00> : vector<1024xf32>
    %reduce_sum3A_440 = vector.multi_reduction <add>, %mul3A_438, %reduce_sum3A_439 [0] : vector<8x1024xf32> to vector<1024xf32>
    %broadcast_in_dim3A_441 = vector.shape_cast %reduce_sum3A_440 : vector<1024xf32> to vector<1x1024xf32>
    %add3A_442 = vector.broadcast %broadcast_in_dim3A_441 : vector<1x1024xf32> to vector<512x1024xf32>
    %add3A_443 = vector.broadcast %get3A_435 : vector<512x1xf32> to vector<512x1024xf32>
    %add3A_444 = arith.addf %add3A_442, %add3A_443 : vector<512x1024xf32>
    %add3A_445 = arith.addf %add3A_444, %dot_general3A_437 : vector<512x1024xf32>
    %argmin3A_446 = tpu.reduce_index %add3A_445 {axis = 0 : i32, kind = #tpu.reduction_kind<arg_min>} : vector<512x1024xf32> -> vector<1024xi32>
    %swap3A_447 = arith.constant 0 : index
    %swap3A_448 = arith.constant 13 : index
    %swap3A_449 = arith.constant 0 : index
    %swap3A_450 = arith.constant 0 : index
    %swap3A_451 = vector.load %arg4[%swap3A_447, %swap3A_448, %swap3A_449, %swap3A_450] : memref<1x32x1x1024xi32, #tpu.memory_space<vmem>>, vector<1x1x1x1024xi32>
    %swap3A_452 = vector.shape_cast %swap3A_451 : vector<1x1x1x1024xi32> to vector<1024xi32>
    %swap3A_453 = vector.shape_cast %argmin3A_446 : vector<1024xi32> to vector<1x1x1x1024xi32>
    tpu.vector_store %arg4[%swap3A_447, %swap3A_448, %swap3A_449, %swap3A_450], %swap3A_453 {strides = array<i32>} : memref<1x32x1x1024xi32, #tpu.memory_space<vmem>>, vector<1x1x1x1024xi32>,
    %get3A_454 = arith.constant 0 : index
    %get3A_455 = arith.constant 112 : index
    %get3A_456 = arith.constant 0 : index
    %get3A_457 = vector.load %arg1[%get3A_454, %get3A_455, %get3A_456] : memref<1x256x1024xf32, #tpu.memory_space<vmem>>, vector<1x8x1024xf32>
    %get3A_458 = vector.shape_cast %get3A_457 : vector<1x8x1024xf32> to vector<8x1024xf32>
    %get3A_459 = arith.constant 14 : index
    %get3A_460 = arith.constant 0 : index
    %get3A_461 = arith.constant 0 : index
    %get3A_462 = vector.load %arg2[%get3A_459, %get3A_460, %get3A_461] : memref<32x512x8xf32, #tpu.memory_space<vmem>>, vector<1x512x8xf32>
    %get3A_463 = vector.shape_cast %get3A_462 : vector<1x512x8xf32> to vector<512x8xf32>
    %get3A_464 = arith.constant 14 : index
    %get3A_465 = arith.constant 0 : index
    %get3A_466 = arith.constant 0 : index
    %get3A_467 = vector.load %arg3[%get3A_464, %get3A_465, %get3A_466] : memref<32x512x1xf32, #tpu.memory_space<vmem>>, vector<1x512x1xf32>
    %get3A_468 = vector.shape_cast %get3A_467 : vector<1x512x1xf32> to vector<512x1xf32>
    %dot_general3A_469 = arith.constant dense<0.000000e+00> : vector<512x1024xf32>
    %dot_general3A_470 = tpu.matmul %get3A_463, %get3A_458, %dot_general3A_469 {dimension_numbers = #tpu.dot_dimension_numbers<[1], [0], [0], [1], [0, 0, 1, 1], [], []>, transpose_lhs_hint = false} : vector<512x8xf32>, vector<8x1024xf32>, vector<512x1024xf32> -> vector<512x1024xf32>
    %mul3A_471 = arith.mulf %get3A_458, %get3A_458 : vector<8x1024xf32>
    %reduce_sum3A_472 = arith.constant dense<0.000000e+00> : vector<1024xf32>
    %reduce_sum3A_473 = vector.multi_reduction <add>, %mul3A_471, %reduce_sum3A_472 [0] : vector<8x1024xf32> to vector<1024xf32>
    %broadcast_in_dim3A_474 = vector.shape_cast %reduce_sum3A_473 : vector<1024xf32> to vector<1x1024xf32>
    %add3A_475 = vector.broadcast %broadcast_in_dim3A_474 : vector<1x1024xf32> to vector<512x1024xf32>
    %add3A_476 = vector.broadcast %get3A_468 : vector<512x1xf32> to vector<512x1024xf32>
    %add3A_477 = arith.addf %add3A_475, %add3A_476 : vector<512x1024xf32>
    %add3A_478 = arith.addf %add3A_477, %dot_general3A_470 : vector<512x1024xf32>
    %argmin3A_479 = tpu.reduce_index %add3A_478 {axis = 0 : i32, kind = #tpu.reduction_kind<arg_min>} : vector<512x1024xf32> -> vector<1024xi32>
    %swap3A_480 = arith.constant 0 : index
    %swap3A_481 = arith.constant 14 : index
    %swap3A_482 = arith.constant 0 : index
    %swap3A_483 = arith.constant 0 : index
    %swap3A_484 = vector.load %arg4[%swap3A_480, %swap3A_481, %swap3A_482, %swap3A_483] : memref<1x32x1x1024xi32, #tpu.memory_space<vmem>>, vector<1x1x1x1024xi32>
    %swap3A_485 = vector.shape_cast %swap3A_484 : vector<1x1x1x1024xi32> to vector<1024xi32>
    %swap3A_486 = vector.shape_cast %argmin3A_479 : vector<1024xi32> to vector<1x1x1x1024xi32>
    tpu.vector_store %arg4[%swap3A_480, %swap3A_481, %swap3A_482, %swap3A_483], %swap3A_486 {strides = array<i32>} : memref<1x32x1x1024xi32, #tpu.memory_space<vmem>>, vector<1x1x1x1024xi32>,
    %get3A_487 = arith.constant 0 : index
    %get3A_488 = arith.constant 120 : index
    %get3A_489 = arith.constant 0 : index
    %get3A_490 = vector.load %arg1[%get3A_487, %get3A_488, %get3A_489] : memref<1x256x1024xf32, #tpu.memory_space<vmem>>, vector<1x8x1024xf32>
    %get3A_491 = vector.shape_cast %get3A_490 : vector<1x8x1024xf32> to vector<8x1024xf32>
    %get3A_492 = arith.constant 15 : index
    %get3A_493 = arith.constant 0 : index
    %get3A_494 = arith.constant 0 : index
    %get3A_495 = vector.load %arg2[%get3A_492, %get3A_493, %get3A_494] : memref<32x512x8xf32, #tpu.memory_space<vmem>>, vector<1x512x8xf32>
    %get3A_496 = vector.shape_cast %get3A_495 : vector<1x512x8xf32> to vector<512x8xf32>
    %get3A_497 = arith.constant 15 : index
    %get3A_498 = arith.constant 0 : index
    %get3A_499 = arith.constant 0 : index
    %get3A_500 = vector.load %arg3[%get3A_497, %get3A_498, %get3A_499] : memref<32x512x1xf32, #tpu.memory_space<vmem>>, vector<1x512x1xf32>
    %get3A_501 = vector.shape_cast %get3A_500 : vector<1x512x1xf32> to vector<512x1xf32>
    %dot_general3A_502 = arith.constant dense<0.000000e+00> : vector<512x1024xf32>
    %dot_general3A_503 = tpu.matmul %get3A_496, %get3A_491, %dot_general3A_502 {dimension_numbers = #tpu.dot_dimension_numbers<[1], [0], [0], [1], [0, 0, 1, 1], [], []>, transpose_lhs_hint = false} : vector<512x8xf32>, vector<8x1024xf32>, vector<512x1024xf32> -> vector<512x1024xf32>
    %mul3A_504 = arith.mulf %get3A_491, %get3A_491 : vector<8x1024xf32>
    %reduce_sum3A_505 = arith.constant dense<0.000000e+00> : vector<1024xf32>
    %reduce_sum3A_506 = vector.multi_reduction <add>, %mul3A_504, %reduce_sum3A_505 [0] : vector<8x1024xf32> to vector<1024xf32>
    %broadcast_in_dim3A_507 = vector.shape_cast %reduce_sum3A_506 : vector<1024xf32> to vector<1x1024xf32>
    %add3A_508 = vector.broadcast %broadcast_in_dim3A_507 : vector<1x1024xf32> to vector<512x1024xf32>
    %add3A_509 = vector.broadcast %get3A_501 : vector<512x1xf32> to vector<512x1024xf32>
    %add3A_510 = arith.addf %add3A_508, %add3A_509 : vector<512x1024xf32>
    %add3A_511 = arith.addf %add3A_510, %dot_general3A_503 : vector<512x1024xf32>
    %argmin3A_512 = tpu.reduce_index %add3A_511 {axis = 0 : i32, kind = #tpu.reduction_kind<arg_min>} : vector<512x1024xf32> -> vector<1024xi32>
    %swap3A_513 = arith.constant 0 : index
    %swap3A_514 = arith.constant 15 : index
    %swap3A_515 = arith.constant 0 : index
    %swap3A_516 = arith.constant 0 : index
    %swap3A_517 = vector.load %arg4[%swap3A_513, %swap3A_514, %swap3A_515, %swap3A_516] : memref<1x32x1x1024xi32, #tpu.memory_space<vmem>>, vector<1x1x1x1024xi32>
    %swap3A_518 = vector.shape_cast %swap3A_517 : vector<1x1x1x1024xi32> to vector<1024xi32>
    %swap3A_519 = vector.shape_cast %argmin3A_512 : vector<1024xi32> to vector<1x1x1x1024xi32>
    tpu.vector_store %arg4[%swap3A_513, %swap3A_514, %swap3A_515, %swap3A_516], %swap3A_519 {strides = array<i32>} : memref<1x32x1x1024xi32, #tpu.memory_space<vmem>>, vector<1x1x1x1024xi32>,
    %get3A_520 = arith.constant 0 : index
    %get3A_521 = arith.constant 128 : index
    %get3A_522 = arith.constant 0 : index
    %get3A_523 = vector.load %arg1[%get3A_520, %get3A_521, %get3A_522] : memref<1x256x1024xf32, #tpu.memory_space<vmem>>, vector<1x8x1024xf32>
    %get3A_524 = vector.shape_cast %get3A_523 : vector<1x8x1024xf32> to vector<8x1024xf32>
    %get3A_525 = arith.constant 16 : index
    %get3A_526 = arith.constant 0 : index
    %get3A_527 = arith.constant 0 : index
    %get3A_528 = vector.load %arg2[%get3A_525, %get3A_526, %get3A_527] : memref<32x512x8xf32, #tpu.memory_space<vmem>>, vector<1x512x8xf32>
    %get3A_529 = vector.shape_cast %get3A_528 : vector<1x512x8xf32> to vector<512x8xf32>
    %get3A_530 = arith.constant 16 : index
    %get3A_531 = arith.constant 0 : index
    %get3A_532 = arith.constant 0 : index
    %get3A_533 = vector.load %arg3[%get3A_530, %get3A_531, %get3A_532] : memref<32x512x1xf32, #tpu.memory_space<vmem>>, vector<1x512x1xf32>
    %get3A_534 = vector.shape_cast %get3A_533 : vector<1x512x1xf32> to vector<512x1xf32>
    %dot_general3A_535 = arith.constant dense<0.000000e+00> : vector<512x1024xf32>
    %dot_general3A_536 = tpu.matmul %get3A_529, %get3A_524, %dot_general3A_535 {dimension_numbers = #tpu.dot_dimension_numbers<[1], [0], [0], [1], [0, 0, 1, 1], [], []>, transpose_lhs_hint = false} : vector<512x8xf32>, vector<8x1024xf32>, vector<512x1024xf32> -> vector<512x1024xf32>
    %mul3A_537 = arith.mulf %get3A_524, %get3A_524 : vector<8x1024xf32>
    %reduce_sum3A_538 = arith.constant dense<0.000000e+00> : vector<1024xf32>
    %reduce_sum3A_539 = vector.multi_reduction <add>, %mul3A_537, %reduce_sum3A_538 [0] : vector<8x1024xf32> to vector<1024xf32>
    %broadcast_in_dim3A_540 = vector.shape_cast %reduce_sum3A_539 : vector<1024xf32> to vector<1x1024xf32>
    %add3A_541 = vector.broadcast %broadcast_in_dim3A_540 : vector<1x1024xf32> to vector<512x1024xf32>
    %add3A_542 = vector.broadcast %get3A_534 : vector<512x1xf32> to vector<512x1024xf32>
    %add3A_543 = arith.addf %add3A_541, %add3A_542 : vector<512x1024xf32>
    %add3A_544 = arith.addf %add3A_543, %dot_general3A_536 : vector<512x1024xf32>
    %argmin3A_545 = tpu.reduce_index %add3A_544 {axis = 0 : i32, kind = #tpu.reduction_kind<arg_min>} : vector<512x1024xf32> -> vector<1024xi32>
    %swap3A_546 = arith.constant 0 : index
    %swap3A_547 = arith.constant 16 : index
    %swap3A_548 = arith.constant 0 : index
    %swap3A_549 = arith.constant 0 : index
    %swap3A_550 = vector.load %arg4[%swap3A_546, %swap3A_547, %swap3A_548, %swap3A_549] : memref<1x32x1x1024xi32, #tpu.memory_space<vmem>>, vector<1x1x1x1024xi32>
    %swap3A_551 = vector.shape_cast %swap3A_550 : vector<1x1x1x1024xi32> to vector<1024xi32>
    %swap3A_552 = vector.shape_cast %argmin3A_545 : vector<1024xi32> to vector<1x1x1x1024xi32>
    tpu.vector_store %arg4[%swap3A_546, %swap3A_547, %swap3A_548, %swap3A_549], %swap3A_552 {strides = array<i32>} : memref<1x32x1x1024xi32, #tpu.memory_space<vmem>>, vector<1x1x1x1024xi32>,
    %get3A_553 = arith.constant 0 : index
    %get3A_554 = arith.constant 136 : index
    %get3A_555 = arith.constant 0 : index
    %get3A_556 = vector.load %arg1[%get3A_553, %get3A_554, %get3A_555] : memref<1x256x1024xf32, #tpu.memory_space<vmem>>, vector<1x8x1024xf32>
    %get3A_557 = vector.shape_cast %get3A_556 : vector<1x8x1024xf32> to vector<8x1024xf32>
    %get3A_558 = arith.constant 17 : index
    %get3A_559 = arith.constant 0 : index
    %get3A_560 = arith.constant 0 : index
    %get3A_561 = vector.load %arg2[%get3A_558, %get3A_559, %get3A_560] : memref<32x512x8xf32, #tpu.memory_space<vmem>>, vector<1x512x8xf32>
    %get3A_562 = vector.shape_cast %get3A_561 : vector<1x512x8xf32> to vector<512x8xf32>
    %get3A_563 = arith.constant 17 : index
    %get3A_564 = arith.constant 0 : index
    %get3A_565 = arith.constant 0 : index
    %get3A_566 = vector.load %arg3[%get3A_563, %get3A_564, %get3A_565] : memref<32x512x1xf32, #tpu.memory_space<vmem>>, vector<1x512x1xf32>
    %get3A_567 = vector.shape_cast %get3A_566 : vector<1x512x1xf32> to vector<512x1xf32>
    %dot_general3A_568 = arith.constant dense<0.000000e+00> : vector<512x1024xf32>
    %dot_general3A_569 = tpu.matmul %get3A_562, %get3A_557, %dot_general3A_568 {dimension_numbers = #tpu.dot_dimension_numbers<[1], [0], [0], [1], [0, 0, 1, 1], [], []>, transpose_lhs_hint = false} : vector<512x8xf32>, vector<8x1024xf32>, vector<512x1024xf32> -> vector<512x1024xf32>
    %mul3A_570 = arith.mulf %get3A_557, %get3A_557 : vector<8x1024xf32>
    %reduce_sum3A_571 = arith.constant dense<0.000000e+00> : vector<1024xf32>
    %reduce_sum3A_572 = vector.multi_reduction <add>, %mul3A_570, %reduce_sum3A_571 [0] : vector<8x1024xf32> to vector<1024xf32>
    %broadcast_in_dim3A_573 = vector.shape_cast %reduce_sum3A_572 : vector<1024xf32> to vector<1x1024xf32>
    %add3A_574 = vector.broadcast %broadcast_in_dim3A_573 : vector<1x1024xf32> to vector<512x1024xf32>
    %add3A_575 = vector.broadcast %get3A_567 : vector<512x1xf32> to vector<512x1024xf32>
    %add3A_576 = arith.addf %add3A_574, %add3A_575 : vector<512x1024xf32>
    %add3A_577 = arith.addf %add3A_576, %dot_general3A_569 : vector<512x1024xf32>
    %argmin3A_578 = tpu.reduce_index %add3A_577 {axis = 0 : i32, kind = #tpu.reduction_kind<arg_min>} : vector<512x1024xf32> -> vector<1024xi32>
    %swap3A_579 = arith.constant 0 : index
    %swap3A_580 = arith.constant 17 : index
    %swap3A_581 = arith.constant 0 : index
    %swap3A_582 = arith.constant 0 : index
    %swap3A_583 = vector.load %arg4[%swap3A_579, %swap3A_580, %swap3A_581, %swap3A_582] : memref<1x32x1x1024xi32, #tpu.memory_space<vmem>>, vector<1x1x1x1024xi32>
    %swap3A_584 = vector.shape_cast %swap3A_583 : vector<1x1x1x1024xi32> to vector<1024xi32>
    %swap3A_585 = vector.shape_cast %argmin3A_578 : vector<1024xi32> to vector<1x1x1x1024xi32>
    tpu.vector_store %arg4[%swap3A_579, %swap3A_580, %swap3A_581, %swap3A_582], %swap3A_585 {strides = array<i32>} : memref<1x32x1x1024xi32, #tpu.memory_space<vmem>>, vector<1x1x1x1024xi32>,
    %get3A_586 = arith.constant 0 : index
    %get3A_587 = arith.constant 144 : index
    %get3A_588 = arith.constant 0 : index
    %get3A_589 = vector.load %arg1[%get3A_586, %get3A_587, %get3A_588] : memref<1x256x1024xf32, #tpu.memory_space<vmem>>, vector<1x8x1024xf32>
    %get3A_590 = vector.shape_cast %get3A_589 : vector<1x8x1024xf32> to vector<8x1024xf32>
    %get3A_591 = arith.constant 18 : index
    %get3A_592 = arith.constant 0 : index
    %get3A_593 = arith.constant 0 : index
    %get3A_594 = vector.load %arg2[%get3A_591, %get3A_592, %get3A_593] : memref<32x512x8xf32, #tpu.memory_space<vmem>>, vector<1x512x8xf32>
    %get3A_595 = vector.shape_cast %get3A_594 : vector<1x512x8xf32> to vector<512x8xf32>
    %get3A_596 = arith.constant 18 : index
    %get3A_597 = arith.constant 0 : index
    %get3A_598 = arith.constant 0 : index
    %get3A_599 = vector.load %arg3[%get3A_596, %get3A_597, %get3A_598] : memref<32x512x1xf32, #tpu.memory_space<vmem>>, vector<1x512x1xf32>
    %get3A_600 = vector.shape_cast %get3A_599 : vector<1x512x1xf32> to vector<512x1xf32>
    %dot_general3A_601 = arith.constant dense<0.000000e+00> : vector<512x1024xf32>
    %dot_general3A_602 = tpu.matmul %get3A_595, %get3A_590, %dot_general3A_601 {dimension_numbers = #tpu.dot_dimension_numbers<[1], [0], [0], [1], [0, 0, 1, 1], [], []>, transpose_lhs_hint = false} : vector<512x8xf32>, vector<8x1024xf32>, vector<512x1024xf32> -> vector<512x1024xf32>
    %mul3A_603 = arith.mulf %get3A_590, %get3A_590 : vector<8x1024xf32>
    %reduce_sum3A_604 = arith.constant dense<0.000000e+00> : vector<1024xf32>
    %reduce_sum3A_605 = vector.multi_reduction <add>, %mul3A_603, %reduce_sum3A_604 [0] : vector<8x1024xf32> to vector<1024xf32>
    %broadcast_in_dim3A_606 = vector.shape_cast %reduce_sum3A_605 : vector<1024xf32> to vector<1x1024xf32>
    %add3A_607 = vector.broadcast %broadcast_in_dim3A_606 : vector<1x1024xf32> to vector<512x1024xf32>
    %add3A_608 = vector.broadcast %get3A_600 : vector<512x1xf32> to vector<512x1024xf32>
    %add3A_609 = arith.addf %add3A_607, %add3A_608 : vector<512x1024xf32>
    %add3A_610 = arith.addf %add3A_609, %dot_general3A_602 : vector<512x1024xf32>
    %argmin3A_611 = tpu.reduce_index %add3A_610 {axis = 0 : i32, kind = #tpu.reduction_kind<arg_min>} : vector<512x1024xf32> -> vector<1024xi32>
    %swap3A_612 = arith.constant 0 : index
    %swap3A_613 = arith.constant 18 : index
    %swap3A_614 = arith.constant 0 : index
    %swap3A_615 = arith.constant 0 : index
    %swap3A_616 = vector.load %arg4[%swap3A_612, %swap3A_613, %swap3A_614, %swap3A_615] : memref<1x32x1x1024xi32, #tpu.memory_space<vmem>>, vector<1x1x1x1024xi32>
    %swap3A_617 = vector.shape_cast %swap3A_616 : vector<1x1x1x1024xi32> to vector<1024xi32>
    %swap3A_618 = vector.shape_cast %argmin3A_611 : vector<1024xi32> to vector<1x1x1x1024xi32>
    tpu.vector_store %arg4[%swap3A_612, %swap3A_613, %swap3A_614, %swap3A_615], %swap3A_618 {strides = array<i32>} : memref<1x32x1x1024xi32, #tpu.memory_space<vmem>>, vector<1x1x1x1024xi32>,
    %get3A_619 = arith.constant 0 : index
    %get3A_620 = arith.constant 152 : index
    %get3A_621 = arith.constant 0 : index
    %get3A_622 = vector.load %arg1[%get3A_619, %get3A_620, %get3A_621] : memref<1x256x1024xf32, #tpu.memory_space<vmem>>, vector<1x8x1024xf32>
    %get3A_623 = vector.shape_cast %get3A_622 : vector<1x8x1024xf32> to vector<8x1024xf32>
    %get3A_624 = arith.constant 19 : index
    %get3A_625 = arith.constant 0 : index
    %get3A_626 = arith.constant 0 : index
    %get3A_627 = vector.load %arg2[%get3A_624, %get3A_625, %get3A_626] : memref<32x512x8xf32, #tpu.memory_space<vmem>>, vector<1x512x8xf32>
    %get3A_628 = vector.shape_cast %get3A_627 : vector<1x512x8xf32> to vector<512x8xf32>
    %get3A_629 = arith.constant 19 : index
    %get3A_630 = arith.constant 0 : index
    %get3A_631 = arith.constant 0 : index
    %get3A_632 = vector.load %arg3[%get3A_629, %get3A_630, %get3A_631] : memref<32x512x1xf32, #tpu.memory_space<vmem>>, vector<1x512x1xf32>
    %get3A_633 = vector.shape_cast %get3A_632 : vector<1x512x1xf32> to vector<512x1xf32>
    %dot_general3A_634 = arith.constant dense<0.000000e+00> : vector<512x1024xf32>
    %dot_general3A_635 = tpu.matmul %get3A_628, %get3A_623, %dot_general3A_634 {dimension_numbers = #tpu.dot_dimension_numbers<[1], [0], [0], [1], [0, 0, 1, 1], [], []>, transpose_lhs_hint = false} : vector<512x8xf32>, vector<8x1024xf32>, vector<512x1024xf32> -> vector<512x1024xf32>
    %mul3A_636 = arith.mulf %get3A_623, %get3A_623 : vector<8x1024xf32>
    %reduce_sum3A_637 = arith.constant dense<0.000000e+00> : vector<1024xf32>
    %reduce_sum3A_638 = vector.multi_reduction <add>, %mul3A_636, %reduce_sum3A_637 [0] : vector<8x1024xf32> to vector<1024xf32>
    %broadcast_in_dim3A_639 = vector.shape_cast %reduce_sum3A_638 : vector<1024xf32> to vector<1x1024xf32>
    %add3A_640 = vector.broadcast %broadcast_in_dim3A_639 : vector<1x1024xf32> to vector<512x1024xf32>
    %add3A_641 = vector.broadcast %get3A_633 : vector<512x1xf32> to vector<512x1024xf32>
    %add3A_642 = arith.addf %add3A_640, %add3A_641 : vector<512x1024xf32>
    %add3A_643 = arith.addf %add3A_642, %dot_general3A_635 : vector<512x1024xf32>
    %argmin3A_644 = tpu.reduce_index %add3A_643 {axis = 0 : i32, kind = #tpu.reduction_kind<arg_min>} : vector<512x1024xf32> -> vector<1024xi32>
    %swap3A_645 = arith.constant 0 : index
    %swap3A_646 = arith.constant 19 : index
    %swap3A_647 = arith.constant 0 : index
    %swap3A_648 = arith.constant 0 : index
    %swap3A_649 = vector.load %arg4[%swap3A_645, %swap3A_646, %swap3A_647, %swap3A_648] : memref<1x32x1x1024xi32, #tpu.memory_space<vmem>>, vector<1x1x1x1024xi32>
    %swap3A_650 = vector.shape_cast %swap3A_649 : vector<1x1x1x1024xi32> to vector<1024xi32>
    %swap3A_651 = vector.shape_cast %argmin3A_644 : vector<1024xi32> to vector<1x1x1x1024xi32>
    tpu.vector_store %arg4[%swap3A_645, %swap3A_646, %swap3A_647, %swap3A_648], %swap3A_651 {strides = array<i32>} : memref<1x32x1x1024xi32, #tpu.memory_space<vmem>>, vector<1x1x1x1024xi32>,
    %get3A_652 = arith.constant 0 : index
    %get3A_653 = arith.constant 160 : index
    %get3A_654 = arith.constant 0 : index
    %get3A_655 = vector.load %arg1[%get3A_652, %get3A_653, %get3A_654] : memref<1x256x1024xf32, #tpu.memory_space<vmem>>, vector<1x8x1024xf32>
    %get3A_656 = vector.shape_cast %get3A_655 : vector<1x8x1024xf32> to vector<8x1024xf32>
    %get3A_657 = arith.constant 20 : index
    %get3A_658 = arith.constant 0 : index
    %get3A_659 = arith.constant 0 : index
    %get3A_660 = vector.load %arg2[%get3A_657, %get3A_658, %get3A_659] : memref<32x512x8xf32, #tpu.memory_space<vmem>>, vector<1x512x8xf32>
    %get3A_661 = vector.shape_cast %get3A_660 : vector<1x512x8xf32> to vector<512x8xf32>
    %get3A_662 = arith.constant 20 : index
    %get3A_663 = arith.constant 0 : index
    %get3A_664 = arith.constant 0 : index
    %get3A_665 = vector.load %arg3[%get3A_662, %get3A_663, %get3A_664] : memref<32x512x1xf32, #tpu.memory_space<vmem>>, vector<1x512x1xf32>
    %get3A_666 = vector.shape_cast %get3A_665 : vector<1x512x1xf32> to vector<512x1xf32>
    %dot_general3A_667 = arith.constant dense<0.000000e+00> : vector<512x1024xf32>
    %dot_general3A_668 = tpu.matmul %get3A_661, %get3A_656, %dot_general3A_667 {dimension_numbers = #tpu.dot_dimension_numbers<[1], [0], [0], [1], [0, 0, 1, 1], [], []>, transpose_lhs_hint = false} : vector<512x8xf32>, vector<8x1024xf32>, vector<512x1024xf32> -> vector<512x1024xf32>
    %mul3A_669 = arith.mulf %get3A_656, %get3A_656 : vector<8x1024xf32>
    %reduce_sum3A_670 = arith.constant dense<0.000000e+00> : vector<1024xf32>
    %reduce_sum3A_671 = vector.multi_reduction <add>, %mul3A_669, %reduce_sum3A_670 [0] : vector<8x1024xf32> to vector<1024xf32>
    %broadcast_in_dim3A_672 = vector.shape_cast %reduce_sum3A_671 : vector<1024xf32> to vector<1x1024xf32>
    %add3A_673 = vector.broadcast %broadcast_in_dim3A_672 : vector<1x1024xf32> to vector<512x1024xf32>
    %add3A_674 = vector.broadcast %get3A_666 : vector<512x1xf32> to vector<512x1024xf32>
    %add3A_675 = arith.addf %add3A_673, %add3A_674 : vector<512x1024xf32>
    %add3A_676 = arith.addf %add3A_675, %dot_general3A_668 : vector<512x1024xf32>
    %argmin3A_677 = tpu.reduce_index %add3A_676 {axis = 0 : i32, kind = #tpu.reduction_kind<arg_min>} : vector<512x1024xf32> -> vector<1024xi32>
    %swap3A_678 = arith.constant 0 : index
    %swap3A_679 = arith.constant 20 : index
    %swap3A_680 = arith.constant 0 : index
    %swap3A_681 = arith.constant 0 : index
    %swap3A_682 = vector.load %arg4[%swap3A_678, %swap3A_679, %swap3A_680, %swap3A_681] : memref<1x32x1x1024xi32, #tpu.memory_space<vmem>>, vector<1x1x1x1024xi32>
    %swap3A_683 = vector.shape_cast %swap3A_682 : vector<1x1x1x1024xi32> to vector<1024xi32>
    %swap3A_684 = vector.shape_cast %argmin3A_677 : vector<1024xi32> to vector<1x1x1x1024xi32>
    tpu.vector_store %arg4[%swap3A_678, %swap3A_679, %swap3A_680, %swap3A_681], %swap3A_684 {strides = array<i32>} : memref<1x32x1x1024xi32, #tpu.memory_space<vmem>>, vector<1x1x1x1024xi32>,
    %get3A_685 = arith.constant 0 : index
    %get3A_686 = arith.constant 168 : index
    %get3A_687 = arith.constant 0 : index
    %get3A_688 = vector.load %arg1[%get3A_685, %get3A_686, %get3A_687] : memref<1x256x1024xf32, #tpu.memory_space<vmem>>, vector<1x8x1024xf32>
    %get3A_689 = vector.shape_cast %get3A_688 : vector<1x8x1024xf32> to vector<8x1024xf32>
    %get3A_690 = arith.constant 21 : index
    %get3A_691 = arith.constant 0 : index
    %get3A_692 = arith.constant 0 : index
    %get3A_693 = vector.load %arg2[%get3A_690, %get3A_691, %get3A_692] : memref<32x512x8xf32, #tpu.memory_space<vmem>>, vector<1x512x8xf32>
    %get3A_694 = vector.shape_cast %get3A_693 : vector<1x512x8xf32> to vector<512x8xf32>
    %get3A_695 = arith.constant 21 : index
    %get3A_696 = arith.constant 0 : index
    %get3A_697 = arith.constant 0 : index
    %get3A_698 = vector.load %arg3[%get3A_695, %get3A_696, %get3A_697] : memref<32x512x1xf32, #tpu.memory_space<vmem>>, vector<1x512x1xf32>
    %get3A_699 = vector.shape_cast %get3A_698 : vector<1x512x1xf32> to vector<512x1xf32>
    %dot_general3A_700 = arith.constant dense<0.000000e+00> : vector<512x1024xf32>
    %dot_general3A_701 = tpu.matmul %get3A_694, %get3A_689, %dot_general3A_700 {dimension_numbers = #tpu.dot_dimension_numbers<[1], [0], [0], [1], [0, 0, 1, 1], [], []>, transpose_lhs_hint = false} : vector<512x8xf32>, vector<8x1024xf32>, vector<512x1024xf32> -> vector<512x1024xf32>
    %mul3A_702 = arith.mulf %get3A_689, %get3A_689 : vector<8x1024xf32>
    %reduce_sum3A_703 = arith.constant dense<0.000000e+00> : vector<1024xf32>
    %reduce_sum3A_704 = vector.multi_reduction <add>, %mul3A_702, %reduce_sum3A_703 [0] : vector<8x1024xf32> to vector<1024xf32>
    %broadcast_in_dim3A_705 = vector.shape_cast %reduce_sum3A_704 : vector<1024xf32> to vector<1x1024xf32>
    %add3A_706 = vector.broadcast %broadcast_in_dim3A_705 : vector<1x1024xf32> to vector<512x1024xf32>
    %add3A_707 = vector.broadcast %get3A_699 : vector<512x1xf32> to vector<512x1024xf32>
    %add3A_708 = arith.addf %add3A_706, %add3A_707 : vector<512x1024xf32>
    %add3A_709 = arith.addf %add3A_708, %dot_general3A_701 : vector<512x1024xf32>
    %argmin3A_710 = tpu.reduce_index %add3A_709 {axis = 0 : i32, kind = #tpu.reduction_kind<arg_min>} : vector<512x1024xf32> -> vector<1024xi32>
    %swap3A_711 = arith.constant 0 : index
    %swap3A_712 = arith.constant 21 : index
    %swap3A_713 = arith.constant 0 : index
    %swap3A_714 = arith.constant 0 : index
    %swap3A_715 = vector.load %arg4[%swap3A_711, %swap3A_712, %swap3A_713, %swap3A_714] : memref<1x32x1x1024xi32, #tpu.memory_space<vmem>>, vector<1x1x1x1024xi32>
    %swap3A_716 = vector.shape_cast %swap3A_715 : vector<1x1x1x1024xi32> to vector<1024xi32>
    %swap3A_717 = vector.shape_cast %argmin3A_710 : vector<1024xi32> to vector<1x1x1x1024xi32>
    tpu.vector_store %arg4[%swap3A_711, %swap3A_712, %swap3A_713, %swap3A_714], %swap3A_717 {strides = array<i32>} : memref<1x32x1x1024xi32, #tpu.memory_space<vmem>>, vector<1x1x1x1024xi32>,
    %get3A_718 = arith.constant 0 : index
    %get3A_719 = arith.constant 176 : index
    %get3A_720 = arith.constant 0 : index
    %get3A_721 = vector.load %arg1[%get3A_718, %get3A_719, %get3A_720] : memref<1x256x1024xf32, #tpu.memory_space<vmem>>, vector<1x8x1024xf32>
    %get3A_722 = vector.shape_cast %get3A_721 : vector<1x8x1024xf32> to vector<8x1024xf32>
    %get3A_723 = arith.constant 22 : index
    %get3A_724 = arith.constant 0 : index
    %get3A_725 = arith.constant 0 : index
    %get3A_726 = vector.load %arg2[%get3A_723, %get3A_724, %get3A_725] : memref<32x512x8xf32, #tpu.memory_space<vmem>>, vector<1x512x8xf32>
    %get3A_727 = vector.shape_cast %get3A_726 : vector<1x512x8xf32> to vector<512x8xf32>
    %get3A_728 = arith.constant 22 : index
    %get3A_729 = arith.constant 0 : index
    %get3A_730 = arith.constant 0 : index
    %get3A_731 = vector.load %arg3[%get3A_728, %get3A_729, %get3A_730] : memref<32x512x1xf32, #tpu.memory_space<vmem>>, vector<1x512x1xf32>
    %get3A_732 = vector.shape_cast %get3A_731 : vector<1x512x1xf32> to vector<512x1xf32>
    %dot_general3A_733 = arith.constant dense<0.000000e+00> : vector<512x1024xf32>
    %dot_general3A_734 = tpu.matmul %get3A_727, %get3A_722, %dot_general3A_733 {dimension_numbers = #tpu.dot_dimension_numbers<[1], [0], [0], [1], [0, 0, 1, 1], [], []>, transpose_lhs_hint = false} : vector<512x8xf32>, vector<8x1024xf32>, vector<512x1024xf32> -> vector<512x1024xf32>
    %mul3A_735 = arith.mulf %get3A_722, %get3A_722 : vector<8x1024xf32>
    %reduce_sum3A_736 = arith.constant dense<0.000000e+00> : vector<1024xf32>
    %reduce_sum3A_737 = vector.multi_reduction <add>, %mul3A_735, %reduce_sum3A_736 [0] : vector<8x1024xf32> to vector<1024xf32>
    %broadcast_in_dim3A_738 = vector.shape_cast %reduce_sum3A_737 : vector<1024xf32> to vector<1x1024xf32>
    %add3A_739 = vector.broadcast %broadcast_in_dim3A_738 : vector<1x1024xf32> to vector<512x1024xf32>
    %add3A_740 = vector.broadcast %get3A_732 : vector<512x1xf32> to vector<512x1024xf32>
    %add3A_741 = arith.addf %add3A_739, %add3A_740 : vector<512x1024xf32>
    %add3A_742 = arith.addf %add3A_741, %dot_general3A_734 : vector<512x1024xf32>
    %argmin3A_743 = tpu.reduce_index %add3A_742 {axis = 0 : i32, kind = #tpu.reduction_kind<arg_min>} : vector<512x1024xf32> -> vector<1024xi32>
    %swap3A_744 = arith.constant 0 : index
    %swap3A_745 = arith.constant 22 : index
    %swap3A_746 = arith.constant 0 : index
    %swap3A_747 = arith.constant 0 : index
    %swap3A_748 = vector.load %arg4[%swap3A_744, %swap3A_745, %swap3A_746, %swap3A_747] : memref<1x32x1x1024xi32, #tpu.memory_space<vmem>>, vector<1x1x1x1024xi32>
    %swap3A_749 = vector.shape_cast %swap3A_748 : vector<1x1x1x1024xi32> to vector<1024xi32>
    %swap3A_750 = vector.shape_cast %argmin3A_743 : vector<1024xi32> to vector<1x1x1x1024xi32>
    tpu.vector_store %arg4[%swap3A_744, %swap3A_745, %swap3A_746, %swap3A_747], %swap3A_750 {strides = array<i32>} : memref<1x32x1x1024xi32, #tpu.memory_space<vmem>>, vector<1x1x1x1024xi32>,
    %get3A_751 = arith.constant 0 : index
    %get3A_752 = arith.constant 184 : index
    %get3A_753 = arith.constant 0 : index
    %get3A_754 = vector.load %arg1[%get3A_751, %get3A_752, %get3A_753] : memref<1x256x1024xf32, #tpu.memory_space<vmem>>, vector<1x8x1024xf32>
    %get3A_755 = vector.shape_cast %get3A_754 : vector<1x8x1024xf32> to vector<8x1024xf32>
    %get3A_756 = arith.constant 23 : index
    %get3A_757 = arith.constant 0 : index
    %get3A_758 = arith.constant 0 : index
    %get3A_759 = vector.load %arg2[%get3A_756, %get3A_757, %get3A_758] : memref<32x512x8xf32, #tpu.memory_space<vmem>>, vector<1x512x8xf32>
    %get3A_760 = vector.shape_cast %get3A_759 : vector<1x512x8xf32> to vector<512x8xf32>
    %get3A_761 = arith.constant 23 : index
    %get3A_762 = arith.constant 0 : index
    %get3A_763 = arith.constant 0 : index
    %get3A_764 = vector.load %arg3[%get3A_761, %get3A_762, %get3A_763] : memref<32x512x1xf32, #tpu.memory_space<vmem>>, vector<1x512x1xf32>
    %get3A_765 = vector.shape_cast %get3A_764 : vector<1x512x1xf32> to vector<512x1xf32>
    %dot_general3A_766 = arith.constant dense<0.000000e+00> : vector<512x1024xf32>
    %dot_general3A_767 = tpu.matmul %get3A_760, %get3A_755, %dot_general3A_766 {dimension_numbers = #tpu.dot_dimension_numbers<[1], [0], [0], [1], [0, 0, 1, 1], [], []>, transpose_lhs_hint = false} : vector<512x8xf32>, vector<8x1024xf32>, vector<512x1024xf32> -> vector<512x1024xf32>
    %mul3A_768 = arith.mulf %get3A_755, %get3A_755 : vector<8x1024xf32>
    %reduce_sum3A_769 = arith.constant dense<0.000000e+00> : vector<1024xf32>
    %reduce_sum3A_770 = vector.multi_reduction <add>, %mul3A_768, %reduce_sum3A_769 [0] : vector<8x1024xf32> to vector<1024xf32>
    %broadcast_in_dim3A_771 = vector.shape_cast %reduce_sum3A_770 : vector<1024xf32> to vector<1x1024xf32>
    %add3A_772 = vector.broadcast %broadcast_in_dim3A_771 : vector<1x1024xf32> to vector<512x1024xf32>
    %add3A_773 = vector.broadcast %get3A_765 : vector<512x1xf32> to vector<512x1024xf32>
    %add3A_774 = arith.addf %add3A_772, %add3A_773 : vector<512x1024xf32>
    %add3A_775 = arith.addf %add3A_774, %dot_general3A_767 : vector<512x1024xf32>
    %argmin3A_776 = tpu.reduce_index %add3A_775 {axis = 0 : i32, kind = #tpu.reduction_kind<arg_min>} : vector<512x1024xf32> -> vector<1024xi32>
    %swap3A_777 = arith.constant 0 : index
    %swap3A_778 = arith.constant 23 : index
    %swap3A_779 = arith.constant 0 : index
    %swap3A_780 = arith.constant 0 : index
    %swap3A_781 = vector.load %arg4[%swap3A_777, %swap3A_778, %swap3A_779, %swap3A_780] : memref<1x32x1x1024xi32, #tpu.memory_space<vmem>>, vector<1x1x1x1024xi32>
    %swap3A_782 = vector.shape_cast %swap3A_781 : vector<1x1x1x1024xi32> to vector<1024xi32>
    %swap3A_783 = vector.shape_cast %argmin3A_776 : vector<1024xi32> to vector<1x1x1x1024xi32>
    tpu.vector_store %arg4[%swap3A_777, %swap3A_778, %swap3A_779, %swap3A_780], %swap3A_783 {strides = array<i32>} : memref<1x32x1x1024xi32, #tpu.memory_space<vmem>>, vector<1x1x1x1024xi32>,
    %get3A_784 = arith.constant 0 : index
    %get3A_785 = arith.constant 192 : index
    %get3A_786 = arith.constant 0 : index
    %get3A_787 = vector.load %arg1[%get3A_784, %get3A_785, %get3A_786] : memref<1x256x1024xf32, #tpu.memory_space<vmem>>, vector<1x8x1024xf32>
    %get3A_788 = vector.shape_cast %get3A_787 : vector<1x8x1024xf32> to vector<8x1024xf32>
    %get3A_789 = arith.constant 24 : index
    %get3A_790 = arith.constant 0 : index
    %get3A_791 = arith.constant 0 : index
    %get3A_792 = vector.load %arg2[%get3A_789, %get3A_790, %get3A_791] : memref<32x512x8xf32, #tpu.memory_space<vmem>>, vector<1x512x8xf32>
    %get3A_793 = vector.shape_cast %get3A_792 : vector<1x512x8xf32> to vector<512x8xf32>
    %get3A_794 = arith.constant 24 : index
    %get3A_795 = arith.constant 0 : index
    %get3A_796 = arith.constant 0 : index
    %get3A_797 = vector.load %arg3[%get3A_794, %get3A_795, %get3A_796] : memref<32x512x1xf32, #tpu.memory_space<vmem>>, vector<1x512x1xf32>
    %get3A_798 = vector.shape_cast %get3A_797 : vector<1x512x1xf32> to vector<512x1xf32>
    %dot_general3A_799 = arith.constant dense<0.000000e+00> : vector<512x1024xf32>
    %dot_general3A_800 = tpu.matmul %get3A_793, %get3A_788, %dot_general3A_799 {dimension_numbers = #tpu.dot_dimension_numbers<[1], [0], [0], [1], [0, 0, 1, 1], [], []>, transpose_lhs_hint = false} : vector<512x8xf32>, vector<8x1024xf32>, vector<512x1024xf32> -> vector<512x1024xf32>
    %mul3A_801 = arith.mulf %get3A_788, %get3A_788 : vector<8x1024xf32>
    %reduce_sum3A_802 = arith.constant dense<0.000000e+00> : vector<1024xf32>
    %reduce_sum3A_803 = vector.multi_reduction <add>, %mul3A_801, %reduce_sum3A_802 [0] : vector<8x1024xf32> to vector<1024xf32>
    %broadcast_in_dim3A_804 = vector.shape_cast %reduce_sum3A_803 : vector<1024xf32> to vector<1x1024xf32>
    %add3A_805 = vector.broadcast %broadcast_in_dim3A_804 : vector<1x1024xf32> to vector<512x1024xf32>
    %add3A_806 = vector.broadcast %get3A_798 : vector<512x1xf32> to vector<512x1024xf32>
    %add3A_807 = arith.addf %add3A_805, %add3A_806 : vector<512x1024xf32>
    %add3A_808 = arith.addf %add3A_807, %dot_general3A_800 : vector<512x1024xf32>
    %argmin3A_809 = tpu.reduce_index %add3A_808 {axis = 0 : i32, kind = #tpu.reduction_kind<arg_min>} : vector<512x1024xf32> -> vector<1024xi32>
    %swap3A_810 = arith.constant 0 : index
    %swap3A_811 = arith.constant 24 : index
    %swap3A_812 = arith.constant 0 : index
    %swap3A_813 = arith.constant 0 : index
    %swap3A_814 = vector.load %arg4[%swap3A_810, %swap3A_811, %swap3A_812, %swap3A_813] : memref<1x32x1x1024xi32, #tpu.memory_space<vmem>>, vector<1x1x1x1024xi32>
    %swap3A_815 = vector.shape_cast %swap3A_814 : vector<1x1x1x1024xi32> to vector<1024xi32>
    %swap3A_816 = vector.shape_cast %argmin3A_809 : vector<1024xi32> to vector<1x1x1x1024xi32>
    tpu.vector_store %arg4[%swap3A_810, %swap3A_811, %swap3A_812, %swap3A_813], %swap3A_816 {strides = array<i32>} : memref<1x32x1x1024xi32, #tpu.memory_space<vmem>>, vector<1x1x1x1024xi32>,
    %get3A_817 = arith.constant 0 : index
    %get3A_818 = arith.constant 200 : index
    %get3A_819 = arith.constant 0 : index
    %get3A_820 = vector.load %arg1[%get3A_817, %get3A_818, %get3A_819] : memref<1x256x1024xf32, #tpu.memory_space<vmem>>, vector<1x8x1024xf32>
    %get3A_821 = vector.shape_cast %get3A_820 : vector<1x8x1024xf32> to vector<8x1024xf32>
    %get3A_822 = arith.constant 25 : index
    %get3A_823 = arith.constant 0 : index
    %get3A_824 = arith.constant 0 : index
    %get3A_825 = vector.load %arg2[%get3A_822, %get3A_823, %get3A_824] : memref<32x512x8xf32, #tpu.memory_space<vmem>>, vector<1x512x8xf32>
    %get3A_826 = vector.shape_cast %get3A_825 : vector<1x512x8xf32> to vector<512x8xf32>
    %get3A_827 = arith.constant 25 : index
    %get3A_828 = arith.constant 0 : index
    %get3A_829 = arith.constant 0 : index
    %get3A_830 = vector.load %arg3[%get3A_827, %get3A_828, %get3A_829] : memref<32x512x1xf32, #tpu.memory_space<vmem>>, vector<1x512x1xf32>
    %get3A_831 = vector.shape_cast %get3A_830 : vector<1x512x1xf32> to vector<512x1xf32>
    %dot_general3A_832 = arith.constant dense<0.000000e+00> : vector<512x1024xf32>
    %dot_general3A_833 = tpu.matmul %get3A_826, %get3A_821, %dot_general3A_832 {dimension_numbers = #tpu.dot_dimension_numbers<[1], [0], [0], [1], [0, 0, 1, 1], [], []>, transpose_lhs_hint = false} : vector<512x8xf32>, vector<8x1024xf32>, vector<512x1024xf32> -> vector<512x1024xf32>
    %mul3A_834 = arith.mulf %get3A_821, %get3A_821 : vector<8x1024xf32>
    %reduce_sum3A_835 = arith.constant dense<0.000000e+00> : vector<1024xf32>
    %reduce_sum3A_836 = vector.multi_reduction <add>, %mul3A_834, %reduce_sum3A_835 [0] : vector<8x1024xf32> to vector<1024xf32>
    %broadcast_in_dim3A_837 = vector.shape_cast %reduce_sum3A_836 : vector<1024xf32> to vector<1x1024xf32>
    %add3A_838 = vector.broadcast %broadcast_in_dim3A_837 : vector<1x1024xf32> to vector<512x1024xf32>
    %add3A_839 = vector.broadcast %get3A_831 : vector<512x1xf32> to vector<512x1024xf32>
    %add3A_840 = arith.addf %add3A_838, %add3A_839 : vector<512x1024xf32>
    %add3A_841 = arith.addf %add3A_840, %dot_general3A_833 : vector<512x1024xf32>
    %argmin3A_842 = tpu.reduce_index %add3A_841 {axis = 0 : i32, kind = #tpu.reduction_kind<arg_min>} : vector<512x1024xf32> -> vector<1024xi32>
    %swap3A_843 = arith.constant 0 : index
    %swap3A_844 = arith.constant 25 : index
    %swap3A_845 = arith.constant 0 : index
    %swap3A_846 = arith.constant 0 : index
    %swap3A_847 = vector.load %arg4[%swap3A_843, %swap3A_844, %swap3A_845, %swap3A_846] : memref<1x32x1x1024xi32, #tpu.memory_space<vmem>>, vector<1x1x1x1024xi32>
    %swap3A_848 = vector.shape_cast %swap3A_847 : vector<1x1x1x1024xi32> to vector<1024xi32>
    %swap3A_849 = vector.shape_cast %argmin3A_842 : vector<1024xi32> to vector<1x1x1x1024xi32>
    tpu.vector_store %arg4[%swap3A_843, %swap3A_844, %swap3A_845, %swap3A_846], %swap3A_849 {strides = array<i32>} : memref<1x32x1x1024xi32, #tpu.memory_space<vmem>>, vector<1x1x1x1024xi32>,
    %get3A_850 = arith.constant 0 : index
    %get3A_851 = arith.constant 208 : index
    %get3A_852 = arith.constant 0 : index
    %get3A_853 = vector.load %arg1[%get3A_850, %get3A_851, %get3A_852] : memref<1x256x1024xf32, #tpu.memory_space<vmem>>, vector<1x8x1024xf32>
    %get3A_854 = vector.shape_cast %get3A_853 : vector<1x8x1024xf32> to vector<8x1024xf32>
    %get3A_855 = arith.constant 26 : index
    %get3A_856 = arith.constant 0 : index
    %get3A_857 = arith.constant 0 : index
    %get3A_858 = vector.load %arg2[%get3A_855, %get3A_856, %get3A_857] : memref<32x512x8xf32, #tpu.memory_space<vmem>>, vector<1x512x8xf32>
    %get3A_859 = vector.shape_cast %get3A_858 : vector<1x512x8xf32> to vector<512x8xf32>
    %get3A_860 = arith.constant 26 : index
    %get3A_861 = arith.constant 0 : index
    %get3A_862 = arith.constant 0 : index
    %get3A_863 = vector.load %arg3[%get3A_860, %get3A_861, %get3A_862] : memref<32x512x1xf32, #tpu.memory_space<vmem>>, vector<1x512x1xf32>
    %get3A_864 = vector.shape_cast %get3A_863 : vector<1x512x1xf32> to vector<512x1xf32>
    %dot_general3A_865 = arith.constant dense<0.000000e+00> : vector<512x1024xf32>
    %dot_general3A_866 = tpu.matmul %get3A_859, %get3A_854, %dot_general3A_865 {dimension_numbers = #tpu.dot_dimension_numbers<[1], [0], [0], [1], [0, 0, 1, 1], [], []>, transpose_lhs_hint = false} : vector<512x8xf32>, vector<8x1024xf32>, vector<512x1024xf32> -> vector<512x1024xf32>
    %mul3A_867 = arith.mulf %get3A_854, %get3A_854 : vector<8x1024xf32>
    %reduce_sum3A_868 = arith.constant dense<0.000000e+00> : vector<1024xf32>
    %reduce_sum3A_869 = vector.multi_reduction <add>, %mul3A_867, %reduce_sum3A_868 [0] : vector<8x1024xf32> to vector<1024xf32>
    %broadcast_in_dim3A_870 = vector.shape_cast %reduce_sum3A_869 : vector<1024xf32> to vector<1x1024xf32>
    %add3A_871 = vector.broadcast %broadcast_in_dim3A_870 : vector<1x1024xf32> to vector<512x1024xf32>
    %add3A_872 = vector.broadcast %get3A_864 : vector<512x1xf32> to vector<512x1024xf32>
    %add3A_873 = arith.addf %add3A_871, %add3A_872 : vector<512x1024xf32>
    %add3A_874 = arith.addf %add3A_873, %dot_general3A_866 : vector<512x1024xf32>
    %argmin3A_875 = tpu.reduce_index %add3A_874 {axis = 0 : i32, kind = #tpu.reduction_kind<arg_min>} : vector<512x1024xf32> -> vector<1024xi32>
    %swap3A_876 = arith.constant 0 : index
    %swap3A_877 = arith.constant 26 : index
    %swap3A_878 = arith.constant 0 : index
    %swap3A_879 = arith.constant 0 : index
    %swap3A_880 = vector.load %arg4[%swap3A_876, %swap3A_877, %swap3A_878, %swap3A_879] : memref<1x32x1x1024xi32, #tpu.memory_space<vmem>>, vector<1x1x1x1024xi32>
    %swap3A_881 = vector.shape_cast %swap3A_880 : vector<1x1x1x1024xi32> to vector<1024xi32>
    %swap3A_882 = vector.shape_cast %argmin3A_875 : vector<1024xi32> to vector<1x1x1x1024xi32>
    tpu.vector_store %arg4[%swap3A_876, %swap3A_877, %swap3A_878, %swap3A_879], %swap3A_882 {strides = array<i32>} : memref<1x32x1x1024xi32, #tpu.memory_space<vmem>>, vector<1x1x1x1024xi32>,
    %get3A_883 = arith.constant 0 : index
    %get3A_884 = arith.constant 216 : index
    %get3A_885 = arith.constant 0 : index
    %get3A_886 = vector.load %arg1[%get3A_883, %get3A_884, %get3A_885] : memref<1x256x1024xf32, #tpu.memory_space<vmem>>, vector<1x8x1024xf32>
    %get3A_887 = vector.shape_cast %get3A_886 : vector<1x8x1024xf32> to vector<8x1024xf32>
    %get3A_888 = arith.constant 27 : index
    %get3A_889 = arith.constant 0 : index
    %get3A_890 = arith.constant 0 : index
    %get3A_891 = vector.load %arg2[%get3A_888, %get3A_889, %get3A_890] : memref<32x512x8xf32, #tpu.memory_space<vmem>>, vector<1x512x8xf32>
    %get3A_892 = vector.shape_cast %get3A_891 : vector<1x512x8xf32> to vector<512x8xf32>
    %get3A_893 = arith.constant 27 : index
    %get3A_894 = arith.constant 0 : index
    %get3A_895 = arith.constant 0 : index
    %get3A_896 = vector.load %arg3[%get3A_893, %get3A_894, %get3A_895] : memref<32x512x1xf32, #tpu.memory_space<vmem>>, vector<1x512x1xf32>
    %get3A_897 = vector.shape_cast %get3A_896 : vector<1x512x1xf32> to vector<512x1xf32>
    %dot_general3A_898 = arith.constant dense<0.000000e+00> : vector<512x1024xf32>
    %dot_general3A_899 = tpu.matmul %get3A_892, %get3A_887, %dot_general3A_898 {dimension_numbers = #tpu.dot_dimension_numbers<[1], [0], [0], [1], [0, 0, 1, 1], [], []>, transpose_lhs_hint = false} : vector<512x8xf32>, vector<8x1024xf32>, vector<512x1024xf32> -> vector<512x1024xf32>
    %mul3A_900 = arith.mulf %get3A_887, %get3A_887 : vector<8x1024xf32>
    %reduce_sum3A_901 = arith.constant dense<0.000000e+00> : vector<1024xf32>
    %reduce_sum3A_902 = vector.multi_reduction <add>, %mul3A_900, %reduce_sum3A_901 [0] : vector<8x1024xf32> to vector<1024xf32>
    %broadcast_in_dim3A_903 = vector.shape_cast %reduce_sum3A_902 : vector<1024xf32> to vector<1x1024xf32>
    %add3A_904 = vector.broadcast %broadcast_in_dim3A_903 : vector<1x1024xf32> to vector<512x1024xf32>
    %add3A_905 = vector.broadcast %get3A_897 : vector<512x1xf32> to vector<512x1024xf32>
    %add3A_906 = arith.addf %add3A_904, %add3A_905 : vector<512x1024xf32>
    %add3A_907 = arith.addf %add3A_906, %dot_general3A_899 : vector<512x1024xf32>
    %argmin3A_908 = tpu.reduce_index %add3A_907 {axis = 0 : i32, kind = #tpu.reduction_kind<arg_min>} : vector<512x1024xf32> -> vector<1024xi32>
    %swap3A_909 = arith.constant 0 : index
    %swap3A_910 = arith.constant 27 : index
    %swap3A_911 = arith.constant 0 : index
    %swap3A_912 = arith.constant 0 : index
    %swap3A_913 = vector.load %arg4[%swap3A_909, %swap3A_910, %swap3A_911, %swap3A_912] : memref<1x32x1x1024xi32, #tpu.memory_space<vmem>>, vector<1x1x1x1024xi32>
    %swap3A_914 = vector.shape_cast %swap3A_913 : vector<1x1x1x1024xi32> to vector<1024xi32>
    %swap3A_915 = vector.shape_cast %argmin3A_908 : vector<1024xi32> to vector<1x1x1x1024xi32>
    tpu.vector_store %arg4[%swap3A_909, %swap3A_910, %swap3A_911, %swap3A_912], %swap3A_915 {strides = array<i32>} : memref<1x32x1x1024xi32, #tpu.memory_space<vmem>>, vector<1x1x1x1024xi32>,
    %get3A_916 = arith.constant 0 : index
    %get3A_917 = arith.constant 224 : index
    %get3A_918 = arith.constant 0 : index
    %get3A_919 = vector.load %arg1[%get3A_916, %get3A_917, %get3A_918] : memref<1x256x1024xf32, #tpu.memory_space<vmem>>, vector<1x8x1024xf32>
    %get3A_920 = vector.shape_cast %get3A_919 : vector<1x8x1024xf32> to vector<8x1024xf32>
    %get3A_921 = arith.constant 28 : index
    %get3A_922 = arith.constant 0 : index
    %get3A_923 = arith.constant 0 : index
    %get3A_924 = vector.load %arg2[%get3A_921, %get3A_922, %get3A_923] : memref<32x512x8xf32, #tpu.memory_space<vmem>>, vector<1x512x8xf32>
    %get3A_925 = vector.shape_cast %get3A_924 : vector<1x512x8xf32> to vector<512x8xf32>
    %get3A_926 = arith.constant 28 : index
    %get3A_927 = arith.constant 0 : index
    %get3A_928 = arith.constant 0 : index
    %get3A_929 = vector.load %arg3[%get3A_926, %get3A_927, %get3A_928] : memref<32x512x1xf32, #tpu.memory_space<vmem>>, vector<1x512x1xf32>
    %get3A_930 = vector.shape_cast %get3A_929 : vector<1x512x1xf32> to vector<512x1xf32>
    %dot_general3A_931 = arith.constant dense<0.000000e+00> : vector<512x1024xf32>
    %dot_general3A_932 = tpu.matmul %get3A_925, %get3A_920, %dot_general3A_931 {dimension_numbers = #tpu.dot_dimension_numbers<[1], [0], [0], [1], [0, 0, 1, 1], [], []>, transpose_lhs_hint = false} : vector<512x8xf32>, vector<8x1024xf32>, vector<512x1024xf32> -> vector<512x1024xf32>
    %mul3A_933 = arith.mulf %get3A_920, %get3A_920 : vector<8x1024xf32>
    %reduce_sum3A_934 = arith.constant dense<0.000000e+00> : vector<1024xf32>
    %reduce_sum3A_935 = vector.multi_reduction <add>, %mul3A_933, %reduce_sum3A_934 [0] : vector<8x1024xf32> to vector<1024xf32>
    %broadcast_in_dim3A_936 = vector.shape_cast %reduce_sum3A_935 : vector<1024xf32> to vector<1x1024xf32>
    %add3A_937 = vector.broadcast %broadcast_in_dim3A_936 : vector<1x1024xf32> to vector<512x1024xf32>
    %add3A_938 = vector.broadcast %get3A_930 : vector<512x1xf32> to vector<512x1024xf32>
    %add3A_939 = arith.addf %add3A_937, %add3A_938 : vector<512x1024xf32>
    %add3A_940 = arith.addf %add3A_939, %dot_general3A_932 : vector<512x1024xf32>
    %argmin3A_941 = tpu.reduce_index %add3A_940 {axis = 0 : i32, kind = #tpu.reduction_kind<arg_min>} : vector<512x1024xf32> -> vector<1024xi32>
    %swap3A_942 = arith.constant 0 : index
    %swap3A_943 = arith.constant 28 : index
    %swap3A_944 = arith.constant 0 : index
    %swap3A_945 = arith.constant 0 : index
    %swap3A_946 = vector.load %arg4[%swap3A_942, %swap3A_943, %swap3A_944, %swap3A_945] : memref<1x32x1x1024xi32, #tpu.memory_space<vmem>>, vector<1x1x1x1024xi32>
    %swap3A_947 = vector.shape_cast %swap3A_946 : vector<1x1x1x1024xi32> to vector<1024xi32>
    %swap3A_948 = vector.shape_cast %argmin3A_941 : vector<1024xi32> to vector<1x1x1x1024xi32>
    tpu.vector_store %arg4[%swap3A_942, %swap3A_943, %swap3A_944, %swap3A_945], %swap3A_948 {strides = array<i32>} : memref<1x32x1x1024xi32, #tpu.memory_space<vmem>>, vector<1x1x1x1024xi32>,
    %get3A_949 = arith.constant 0 : index
    %get3A_950 = arith.constant 232 : index
    %get3A_951 = arith.constant 0 : index
    %get3A_952 = vector.load %arg1[%get3A_949, %get3A_950, %get3A_951] : memref<1x256x1024xf32, #tpu.memory_space<vmem>>, vector<1x8x1024xf32>
    %get3A_953 = vector.shape_cast %get3A_952 : vector<1x8x1024xf32> to vector<8x1024xf32>
    %get3A_954 = arith.constant 29 : index
    %get3A_955 = arith.constant 0 : index
    %get3A_956 = arith.constant 0 : index
    %get3A_957 = vector.load %arg2[%get3A_954, %get3A_955, %get3A_956] : memref<32x512x8xf32, #tpu.memory_space<vmem>>, vector<1x512x8xf32>
    %get3A_958 = vector.shape_cast %get3A_957 : vector<1x512x8xf32> to vector<512x8xf32>
    %get3A_959 = arith.constant 29 : index
    %get3A_960 = arith.constant 0 : index
    %get3A_961 = arith.constant 0 : index
    %get3A_962 = vector.load %arg3[%get3A_959, %get3A_960, %get3A_961] : memref<32x512x1xf32, #tpu.memory_space<vmem>>, vector<1x512x1xf32>
    %get3A_963 = vector.shape_cast %get3A_962 : vector<1x512x1xf32> to vector<512x1xf32>
    %dot_general3A_964 = arith.constant dense<0.000000e+00> : vector<512x1024xf32>
    %dot_general3A_965 = tpu.matmul %get3A_958, %get3A_953, %dot_general3A_964 {dimension_numbers = #tpu.dot_dimension_numbers<[1], [0], [0], [1], [0, 0, 1, 1], [], []>, transpose_lhs_hint = false} : vector<512x8xf32>, vector<8x1024xf32>, vector<512x1024xf32> -> vector<512x1024xf32>
    %mul3A_966 = arith.mulf %get3A_953, %get3A_953 : vector<8x1024xf32>
    %reduce_sum3A_967 = arith.constant dense<0.000000e+00> : vector<1024xf32>
    %reduce_sum3A_968 = vector.multi_reduction <add>, %mul3A_966, %reduce_sum3A_967 [0] : vector<8x1024xf32> to vector<1024xf32>
    %broadcast_in_dim3A_969 = vector.shape_cast %reduce_sum3A_968 : vector<1024xf32> to vector<1x1024xf32>
    %add3A_970 = vector.broadcast %broadcast_in_dim3A_969 : vector<1x1024xf32> to vector<512x1024xf32>
    %add3A_971 = vector.broadcast %get3A_963 : vector<512x1xf32> to vector<512x1024xf32>
    %add3A_972 = arith.addf %add3A_970, %add3A_971 : vector<512x1024xf32>
    %add3A_973 = arith.addf %add3A_972, %dot_general3A_965 : vector<512x1024xf32>
    %argmin3A_974 = tpu.reduce_index %add3A_973 {axis = 0 : i32, kind = #tpu.reduction_kind<arg_min>} : vector<512x1024xf32> -> vector<1024xi32>
    %swap3A_975 = arith.constant 0 : index
    %swap3A_976 = arith.constant 29 : index
    %swap3A_977 = arith.constant 0 : index
    %swap3A_978 = arith.constant 0 : index
    %swap3A_979 = vector.load %arg4[%swap3A_975, %swap3A_976, %swap3A_977, %swap3A_978] : memref<1x32x1x1024xi32, #tpu.memory_space<vmem>>, vector<1x1x1x1024xi32>
    %swap3A_980 = vector.shape_cast %swap3A_979 : vector<1x1x1x1024xi32> to vector<1024xi32>
    %swap3A_981 = vector.shape_cast %argmin3A_974 : vector<1024xi32> to vector<1x1x1x1024xi32>
    tpu.vector_store %arg4[%swap3A_975, %swap3A_976, %swap3A_977, %swap3A_978], %swap3A_981 {strides = array<i32>} : memref<1x32x1x1024xi32, #tpu.memory_space<vmem>>, vector<1x1x1x1024xi32>,
    %get3A_982 = arith.constant 0 : index
    %get3A_983 = arith.constant 240 : index
    %get3A_984 = arith.constant 0 : index
    %get3A_985 = vector.load %arg1[%get3A_982, %get3A_983, %get3A_984] : memref<1x256x1024xf32, #tpu.memory_space<vmem>>, vector<1x8x1024xf32>
    %get3A_986 = vector.shape_cast %get3A_985 : vector<1x8x1024xf32> to vector<8x1024xf32>
    %get3A_987 = arith.constant 30 : index
    %get3A_988 = arith.constant 0 : index
    %get3A_989 = arith.constant 0 : index
    %get3A_990 = vector.load %arg2[%get3A_987, %get3A_988, %get3A_989] : memref<32x512x8xf32, #tpu.memory_space<vmem>>, vector<1x512x8xf32>
    %get3A_991 = vector.shape_cast %get3A_990 : vector<1x512x8xf32> to vector<512x8xf32>
    %get3A_992 = arith.constant 30 : index
    %get3A_993 = arith.constant 0 : index
    %get3A_994 = arith.constant 0 : index
    %get3A_995 = vector.load %arg3[%get3A_992, %get3A_993, %get3A_994] : memref<32x512x1xf32, #tpu.memory_space<vmem>>, vector<1x512x1xf32>
    %get3A_996 = vector.shape_cast %get3A_995 : vector<1x512x1xf32> to vector<512x1xf32>
    %dot_general3A_997 = arith.constant dense<0.000000e+00> : vector<512x1024xf32>
    %dot_general3A_998 = tpu.matmul %get3A_991, %get3A_986, %dot_general3A_997 {dimension_numbers = #tpu.dot_dimension_numbers<[1], [0], [0], [1], [0, 0, 1, 1], [], []>, transpose_lhs_hint = false} : vector<512x8xf32>, vector<8x1024xf32>, vector<512x1024xf32> -> vector<512x1024xf32>
    %mul3A_999 = arith.mulf %get3A_986, %get3A_986 : vector<8x1024xf32>
    %reduce_sum3A_1000 = arith.constant dense<0.000000e+00> : vector<1024xf32>
    %reduce_sum3A_1001 = vector.multi_reduction <add>, %mul3A_999, %reduce_sum3A_1000 [0] : vector<8x1024xf32> to vector<1024xf32>
    %broadcast_in_dim3A_1002 = vector.shape_cast %reduce_sum3A_1001 : vector<1024xf32> to vector<1x1024xf32>
    %add3A_1003 = vector.broadcast %broadcast_in_dim3A_1002 : vector<1x1024xf32> to vector<512x1024xf32>
    %add3A_1004 = vector.broadcast %get3A_996 : vector<512x1xf32> to vector<512x1024xf32>
    %add3A_1005 = arith.addf %add3A_1003, %add3A_1004 : vector<512x1024xf32>
    %add3A_1006 = arith.addf %add3A_1005, %dot_general3A_998 : vector<512x1024xf32>
    %argmin3A_1007 = tpu.reduce_index %add3A_1006 {axis = 0 : i32, kind = #tpu.reduction_kind<arg_min>} : vector<512x1024xf32> -> vector<1024xi32>
    %swap3A_1008 = arith.constant 0 : index
    %swap3A_1009 = arith.constant 30 : index
    %swap3A_1010 = arith.constant 0 : index
    %swap3A_1011 = arith.constant 0 : index
    %swap3A_1012 = vector.load %arg4[%swap3A_1008, %swap3A_1009, %swap3A_1010, %swap3A_1011] : memref<1x32x1x1024xi32, #tpu.memory_space<vmem>>, vector<1x1x1x1024xi32>
    %swap3A_1013 = vector.shape_cast %swap3A_1012 : vector<1x1x1x1024xi32> to vector<1024xi32>
    %swap3A_1014 = vector.shape_cast %argmin3A_1007 : vector<1024xi32> to vector<1x1x1x1024xi32>
    tpu.vector_store %arg4[%swap3A_1008, %swap3A_1009, %swap3A_1010, %swap3A_1011], %swap3A_1014 {strides = array<i32>} : memref<1x32x1x1024xi32, #tpu.memory_space<vmem>>, vector<1x1x1x1024xi32>,
    %get3A_1015 = arith.constant 0 : index
    %get3A_1016 = arith.constant 248 : index
    %get3A_1017 = arith.constant 0 : index
    %get3A_1018 = vector.load %arg1[%get3A_1015, %get3A_1016, %get3A_1017] : memref<1x256x1024xf32, #tpu.memory_space<vmem>>, vector<1x8x1024xf32>
    %get3A_1019 = vector.shape_cast %get3A_1018 : vector<1x8x1024xf32> to vector<8x1024xf32>
    %get3A_1020 = arith.constant 31 : index
    %get3A_1021 = arith.constant 0 : index
    %get3A_1022 = arith.constant 0 : index
    %get3A_1023 = vector.load %arg2[%get3A_1020, %get3A_1021, %get3A_1022] : memref<32x512x8xf32, #tpu.memory_space<vmem>>, vector<1x512x8xf32>
    %get3A_1024 = vector.shape_cast %get3A_1023 : vector<1x512x8xf32> to vector<512x8xf32>
    %get3A_1025 = arith.constant 31 : index
    %get3A_1026 = arith.constant 0 : index
    %get3A_1027 = arith.constant 0 : index
    %get3A_1028 = vector.load %arg3[%get3A_1025, %get3A_1026, %get3A_1027] : memref<32x512x1xf32, #tpu.memory_space<vmem>>, vector<1x512x1xf32>
    %get3A_1029 = vector.shape_cast %get3A_1028 : vector<1x512x1xf32> to vector<512x1xf32>
    %dot_general3A_1030 = arith.constant dense<0.000000e+00> : vector<512x1024xf32>
    %dot_general3A_1031 = tpu.matmul %get3A_1024, %get3A_1019, %dot_general3A_1030 {dimension_numbers = #tpu.dot_dimension_numbers<[1], [0], [0], [1], [0, 0, 1, 1], [], []>, transpose_lhs_hint = false} : vector<512x8xf32>, vector<8x1024xf32>, vector<512x1024xf32> -> vector<512x1024xf32>
    %mul3A_1032 = arith.mulf %get3A_1019, %get3A_1019 : vector<8x1024xf32>
    %reduce_sum3A_1033 = arith.constant dense<0.000000e+00> : vector<1024xf32>
    %reduce_sum3A_1034 = vector.multi_reduction <add>, %mul3A_1032, %reduce_sum3A_1033 [0] : vector<8x1024xf32> to vector<1024xf32>
    %broadcast_in_dim3A_1035 = vector.shape_cast %reduce_sum3A_1034 : vector<1024xf32> to vector<1x1024xf32>
    %add3A_1036 = vector.broadcast %broadcast_in_dim3A_1035 : vector<1x1024xf32> to vector<512x1024xf32>
    %add3A_1037 = vector.broadcast %get3A_1029 : vector<512x1xf32> to vector<512x1024xf32>
    %add3A_1038 = arith.addf %add3A_1036, %add3A_1037 : vector<512x1024xf32>
    %add3A_1039 = arith.addf %add3A_1038, %dot_general3A_1031 : vector<512x1024xf32>
    %argmin3A_1040 = tpu.reduce_index %add3A_1039 {axis = 0 : i32, kind = #tpu.reduction_kind<arg_min>} : vector<512x1024xf32> -> vector<1024xi32>
    %swap3A_1041 = arith.constant 0 : index
    %swap3A_1042 = arith.constant 31 : index
    %swap3A_1043 = arith.constant 0 : index
    %swap3A_1044 = arith.constant 0 : index
    %swap3A_1045 = vector.load %arg4[%swap3A_1041, %swap3A_1042, %swap3A_1043, %swap3A_1044] : memref<1x32x1x1024xi32, #tpu.memory_space<vmem>>, vector<1x1x1x1024xi32>
    %swap3A_1046 = vector.shape_cast %swap3A_1045 : vector<1x1x1x1024xi32> to vector<1024xi32>
    %swap3A_1047 = vector.shape_cast %argmin3A_1040 : vector<1024xi32> to vector<1x1x1x1024xi32>
    tpu.vector_store %arg4[%swap3A_1041, %swap3A_1042, %swap3A_1043, %swap3A_1044], %swap3A_1047 {strides = array<i32>} : memref<1x32x1x1024xi32, #tpu.memory_space<vmem>>, vector<1x1x1x1024xi32>,
    return
  }
  func.func @transform_0(%arg0: i32) -> (i32, i32, i32) {
    %c0_i32 = arith.constant 0 : i32
    %c0_i32_0 = arith.constant 0 : i32
    %c0_i32_1 = arith.constant 0 : i32
    return %arg0, %c0_i32, %c0_i32_0 : i32, i32, i32
  }
  func.func @transform_1(%arg0: i32) -> (i32, i32, i32) {
    %c0_i32 = arith.constant 0 : i32
    %c0_i32_0 = arith.constant 0 : i32
    %c0_i32_1 = arith.constant 0 : i32
    %c0_i32_2 = arith.constant 0 : i32
    return %c0_i32, %c0_i32_0, %c0_i32_1 : i32, i32, i32
  }
  func.func @transform_2(%arg0: i32) -> (i32, i32, i32) {
    %c0_i32 = arith.constant 0 : i32
    %c0_i32_0 = arith.constant 0 : i32
    %c0_i32_1 = arith.constant 0 : i32
    %c0_i32_2 = arith.constant 0 : i32
    return %c0_i32, %c0_i32_0, %c0_i32_1 : i32, i32, i32
  }
  func.func @transform_3(%arg0: i32) -> (i32, i32, i32, i32) {
    %c0_i32 = arith.constant 0 : i32
    %c0_i32_0 = arith.constant 0 : i32
    %c0_i32_1 = arith.constant 0 : i32
    %c0_i32_2 = arith.constant 0 : i32
    return %arg0, %c0_i32, %c0_i32_0, %c0_i32_1 : i32, i32, i32, i32
  }
}

</mosaic_0001>

<sc_bundles>
// kernel: kernel.4.cloned.1.call-start
scs
__scs_entry_jumppad:
0x0: {  	(pc) =	sbr.rel $0x88, $3  }
0x1: {  	(tag) =	ssettag $0x0;
	lr =	simm.s32 $0x1  }
0x2: {  	[smem:$0x3F9F] =	sst lr;
	_ =	strace $0xD0000000  }
0x3: {  	_ = 	snop  }
0x4: {  	_ = 	snop  }
0x5: {  	_ = 	snop  }
0x6: {  	_ = 	snop  }
0x7: {  	_ = 	snop  }
__scs_overlays_trampoline_lowered:
0x8: {  	[smem:$0x3FAE] =	sst s0  }
0x9: {  	[smem:$0x3FAF] =	sst s1  }
0xa: {  	[smem:$0x3FB0] =	sst s2  }
0xb: {  	[smem:$0x3FB1] =	sst s3  }
0xc: {  	[smem:$0x3FB2] =	sst s4  }
0xd: {  	[smem:$0x3FB3] =	sst s5  }
0xe: {  	[smem:$0x3FB4] =	sst s6  }
0xf: {  	[smem:$0x3FB5] =	sst s7  }
0x10: {  	[smem:$0x3FB6] =	sst s8  }
0x11: {  	[smem:$0x3FB7] =	sst s9;
	s0 =	simm.s32 @!p0 $0x0  }
0x12: {  	s1 =	sld [smem:$0x3F9D];
	s0 =	simm.s32 @p0 $0x1  }
0x13: {  	[smem:$0x3FB8] =	sst s0;
	s0 =	simm.s32 @!p1 $0x0  }
0x14: {  	s2 =	sld [smem:$0x3F9C];
	s0 =	simm.s32 @p1 $0x1  }
0x15: {  	[smem:$0x3FB9] =	sst s0;
	s0 =	simm.s32 @!p2 $0x0  }
0x16: {  	s3 =	sld [smem:$0x3FDB];
	s0 =	simm.s32 @p2 $0x1  }
0x17: {  	s4 =	simm.s32 $0x1BF5;
	[smem:$0x3FBB] =	sst s0  }
0x18: {  	s0 =	sld [smem:$0x3F9E];
	_ =	swait.ge [sflag:s4], $0x0  }
0x19: {  	s7 =	sld [smem:$0x3F9F]  }
0x1a: {  	s8 =	sadd.s32 $0xFFFFE003, lr  }
0x1b: {  	s9 =	sadd.s32 $0xFFFFFEF7, lr;
	s5 =	simm.s32 $0xFFFFFFFF;
	p2 =	slt.u32 s8, $0xFFFFF086  }
0x1c: {  	p1 =	slt.u32 s9, $0xF7A;
	s5 =	simm.s32 @!p2 $0x0  }
0x1d: {  	s5 =	simm.s32 @p1 $0x1;
	p0 =	seq.s32 s7, s2  }
0x1e: {  	s7 =	smul.u32 @!p0 $0xF7A, s2;
	p2 =	seq.s32 @!p0 s5, $0x0  }
0x1f: {  	s9 =	smul.u32 $0xF7A, s1;
	s8 =	simm.s32 @!p0 $0x1BF5;
	p2 =	por !p2, p0  }
0x20: {  	[sflag:s8] =	ssyncset.s32 @!p0 $0xFFFFF086;
	s6 =	sadd.s32 @!p0 s3, s7;
	s7 =	simm.s32 @!p0 $0x108  }
0x21: {  	s3 =	sadd.s32 s3, s9;
	s6 =	sadd.s32 @!p0 $0x88, s6;
	s7 =	simm.s32 @p2 $0x1082  }
0x22: {  	[simem:s7], [sflag:s8] =	dma.local @!p0 [hbm:s6], $0xF7A  }
0x23: {  	s9 =	sor.u32 $0xD0000000, s2;
	s6 =	simm.s32 $0x108;
	_ =	swait.ge @!p0 [sflag:s8], $0x0  }
0x24: {  	s3 =	sadd.s32 $0x88, s3;
	s6 =	simm.s32 @!p1 $0x1082;
	[sflag:s4] =	ssyncset.s32 $0xFFFFF086  }
0x25: {  	[simem:s6], [sflag:s4] =	dma.local [hbm:s3], $0xF7A  }
0x26: {  	[smem:$0x3F9F] =	sst s1;
	(tag) =	ssettag s2;
	_ =	strace s9  }
0x27: {  	s1 =	sld [smem:$0x3FAF]  }
0x28: {  	s2 =	sld [smem:$0x3FB0]  }
0x29: {  	s4 =	sld [smem:$0x3FB2]  }
0x2a: {  	p0 =	seq.s32 s5, $0x0;
	s5 =	sld [smem:$0x3FB3]  }
0x2b: {  	s6 =	sld [smem:$0x3FB4]  }
0x2c: {  	s7 =	sld [smem:$0x3FB5]  }
0x2d: {  	s3 =	simm.s32 $0x108;
	s8 =	sld [smem:$0x3FB6]  }
0x2e: {  	s3 =	simm.s32 @!p0 $0x1082;
	s9 =	sld [smem:$0x3FB7]  }
0x2f: {  	lr =	sadd.s32 s0, s3;
	s0 =	sld [smem:$0x3FAE]  }
0x30: {  	s3 =	sld [smem:$0x3FB1]  }
0x31: {  	[smem:$0x3FBA] =	sst s10  }
0x32: {  	s10 =	sld [smem:$0x3FB8];
	_ =	sdelay $0x3  }
0x33: {  	p0 =	seq.s32 s10, $0x1;
	s10 =	sld [smem:$0x3FBA];
	_ =	sdelay $0x3  }
0x34: {  	[smem:$0x3FBA] =	sst s10  }
0x35: {  	s10 =	sld [smem:$0x3FB9];
	_ =	sdelay $0x3  }
0x36: {  	p1 =	seq.s32 s10, $0x1;
	s10 =	sld [smem:$0x3FBA];
	_ =	sdelay $0x3  }
0x37: {  	[smem:$0x3FBA] =	sst s10  }
0x38: {  	s10 =	sld [smem:$0x3FBB]  }
0x39: {  	_ = 	snop;
	(pc) =	sbr.ind lr, $3  }
0x3a: {  	_ = 	snop  }
0x3b: {  	_ = 	snop  }
0x3c: {  	p2 =	seq.s32 s10, $0x1;
	s10 =	sld [smem:$0x3FBA]  }
0x3d: {  	_ =	shalt  }
0x3e: {  	_ =	shalt  }
0x3f: {  	_ =	shalt  }
0x40: {  	_ =	shalt  }
0x41: {  	_ =	shalt  }
0x42: {  	_ =	shalt  }
0x43: {  	_ =	shalt  }
0x44: {  	_ =	shalt  }
0x45: {  	_ =	shalt  }
0x46: {  	_ =	shalt  }
0x47: {  	_ =	shalt  }
0x48: {  	_ =	shalt  }
0x49: {  	_ =	shalt  }
0x4a: {  	_ =	shalt  }
0x4b: {  	_ =	shalt  }
0x4c: {  	_ =	shalt  }
0x4d: {  	_ =	shalt  }
0x4e: {  	_ =	shalt  }
0x4f: {  	_ =	shalt  }
0x50: {  	_ =	shalt  }
0x51: {  	_ =	shalt  }
0x52: {  	_ =	shalt  }
0x53: {  	_ =	shalt  }
0x54: {  	_ =	shalt  }
0x55: {  	_ =	shalt  }
0x56: {  	_ =	shalt  }
0x57: {  	_ =	shalt  }
0x58: {  	_ =	shalt  }
0x59: {  	_ =	shalt  }
0x5a: {  	_ =	shalt  }
0x5b: {  	_ =	shalt  }
0x5c: {  	_ =	shalt  }
0x5d: {  	_ =	shalt  }
0x5e: {  	_ =	shalt  }
0x5f: {  	_ =	shalt  }
0x60: {  	_ =	shalt  }
0x61: {  	_ =	shalt  }
0x62: {  	_ =	shalt  }
0x63: {  	_ =	shalt  }
0x64: {  	_ =	shalt  }
0x65: {  	_ =	shalt  }
0x66: {  	_ =	shalt  }
0x67: {  	_ =	shalt  }
0x68: {  	_ =	shalt  }
0x69: {  	_ =	shalt  }
0x6a: {  	_ =	shalt  }
0x6b: {  	_ =	shalt  }
0x6c: {  	_ =	shalt  }
0x6d: {  	_ =	shalt  }
0x6e: {  	_ =	shalt  }
0x6f: {  	_ =	shalt  }
0x70: {  	_ =	shalt  }
0x71: {  	_ =	shalt  }
0x72: {  	_ =	shalt  }
0x73: {  	_ =	shalt  }
0x74: {  	_ =	shalt  }
0x75: {  	_ =	shalt  }
0x76: {  	_ =	shalt  }
0x77: {  	_ =	shalt  }
0x78: {  	_ =	shalt  }
0x79: {  	_ =	shalt  }
0x7a: {  	_ =	shalt  }
0x7b: {  	_ =	shalt  }
0x7c: {  	_ =	shalt  }
0x7d: {  	_ =	shalt  }
0x7e: {  	_ =	shalt  }
0x7f: {  	_ =	shalt  }
0x80: {  	_ =	shalt  }
0x81: {  	_ =	shalt  }
0x82: {  	_ =	shalt  }
0x83: {  	_ =	shalt  }
0x84: {  	_ =	shalt  }
0x85: {  	_ =	shalt  }
0x86: {  	_ =	shalt  }
0x87: {  	_ =	shalt  }
.Lfunc_end0:
.L_simem_size_0:
called_computation_lowered:
.L_overlay_start_0:
0x88: {  	s2 =	sld [smem:$0x3FD9]  }
0x89: {  	s3 =	sld [smem:$0x3FFE];
	_ =	sdelay $0x1  }
0x8a: {  	s1 =	srdreg.scid  }
0x8b: {  	s0 =	sand.u32 $0x1, s1  }
0x8c: {  	s14 =	sshll.u32 s0, $0xA;
	s2 =	sadd.s32 s3, s2  }
0x8d: {  	s2 =	sadd.s32 s2, s14  }
0x8e: {  	[smem:$0x3FC6] =	sst s2  }
0x8f: {  	_ = 	snop  }
0x90: {  	s2 =	sld [smem:$0x3FD0];
	_ =	sdelay $0x2  }
0x91: {  	s15 =	simm.s32 $0xA;
	s4 =	simm.s32 $0x10  }
0x92: {  	[smem:s4], [sflag:s15] =	dma.local [hbm:s2], $0x1  }
0x93: {  	_ =	swait.eq [sflag:s15], $0x1  }
0x94: {  	[sflag:s15] =	ssyncset.done $0x0  }
0x95: {  	[sflag:s15] =	ssyncadd.s32 $0xFFFFFFFF  }
0x96: {  	s16 =	sld [smem:$0x10];
	(tm) =	ssettm $0x1  }
0x97: {  	s17 =	sld [smem:$0x3FFB];
	_ =	sdelay $0x3  }
0x98: {  	_ =	strace s17  }
0x99: {  	s3 =	sld [smem:$0x3FFC];
	_ =	sdelay $0x3  }
0x9a: {  	_ =	strace s3  }
0x9b: {  	s3 =	sld [smem:$0x3FFD];
	_ =	sdelay $0x3  }
0x9c: {  	_ =	strace s3  }
0x9d: {  	_ =	strace $0x8FFFFFFF  }
0x9e: {  	s18 =	sld [smem:$0x3FDB];
	_ =	sdelay $0x1  }
0x9f: {  	s19 =	simm.s32 $_scs_section_size  }
0xa0: {  	s5 =	simm.s32 $_size__tile_overlayer_lowered;
	s6 =	simm.s32 $_tile_overlayer_lowered  }
0xa1: {  	s22 =	simm.s32 $0x1BFF;
	s21 =	sshll.u32 s6, $0x1;
	s3 =	sadd.s32 s19, s18  }
0xa2: {  	s7 =	simm.s32 $0x0;
	s20 =	sshll.u32 s5, $0x1;
	s5 =	sadd.s32 s21, s3  }
0xa3: {  	[timem:s7], [sflag:s22] =	dma.local [hbm:s5], s20  }
0xa4: {  	_ =	swait.ge [sflag:s22], s20  }
0xa5: {  	s4 =	ssub.s32 $0x0, s20;
	[sflag:s22] =	ssyncset.done $0x0  }
0xa6: {  	[sflag:s22] =	ssyncadd.s32 s4;
	_ =	sdelay $0x1  }
0xa7: {  	s23 =	simm.s32 $0x1B8B  }
0xa8: {  	_ =	swait.ge [sflag:s23], $0x1  }
0xa9: {  	[sflag:s23] =	ssyncset.done $0x0  }
0xaa: {  	s25 =	simm.s32 $0x1B8E;
	s24 =	sld [smem:$0x3FFE];
	[sflag:s23] =	ssyncadd.s32 $0xFFFFFFFF  }
0xab: {  	s26 =	simm.s32 $execute0_lowered;
	[smem:$0x3FD2] =	sst s25  }
0xac: {  	s5 =	sshll.u32 s26, $0x1;
	_ =	strace $0x80000046;
	[dreg:$0x1] =	wrdreg $0xFFFFFFFF  }
0xad: {  	s28 =	simm.s32 $_size_execute0_lowered;
	s3 =	sadd.s32 s3, s5;
	[dreg:$0x0] =	wrdreg $0x0  }
0xae: {  	s5 =	sshll.u32 s28, $0x1;
	[dreg:$0x2] =	wrdreg s3  }
0xaf: {  	[dreg:$0x3] =	wrdreg s5  }
0xb0: {  	[dreg:$0x4] =	wrdreg $0xC0  }
0xb1: {  	_ =	task [dreg:s7], $0x5FFFF  }
0xb2: {  	[dreg:$0x1] =	wrdreg $0xFFFFFFFF  }
0xb3: {  	[dreg:$0x0] =	wrdreg $0x60  }
0xb4: {  	[dreg:$0x2] =	wrdreg s24  }
0xb5: {  	[dreg:$0x3] =	wrdreg s16  }
0xb6: {  	[dreg:$0x4] =	wrdreg $0x9  }
0xb7: {  	_ =	task.clear_ibuf [dreg:s7], $0x5FFFF;
	_ =	strace $0x90000046  }
0xb8: {  	s29 =	simm.s32 $0x9;
	_ =	strace $0x80000048  }
0xb9: {  	_ =	swait.ge [sflag:s29], $0x1  }
0xba: {  	[sflag:s29] =	ssyncadd.s32 $0xFFFFFFFF  }
0xbb: {  	_ =	strace $0x90000048  }
0xbc: {  	_ =	sfence  }
0xbd: {  	s30 =	sld [smem:$0x0];
	_ =	sdelay $0x2  }
0xbe: {  	s31 =	sshll.u32 s1, $0xD;
	s1 =	sshrl.u32 s1, $0x2  }
0xbf: {  	s3 =	sand.u32 $0x4000, s31;
	s1 =	sadd.s32 s1, s30  }
0xc0: {  	s0 =	sor.u32 s3, s0;
	s1 =	sshll.u32 s1, $0x11  }
0xc1: {  	s0 =	sor.u32 s1, s0  }
0xc2: {  	s0 =	sadd.s32 $0x8F2B, s0  }
0xc3: {  	[sflag:s0] =	ssyncadd.remote.s32 $0x1  }
0xc4: {  	_ =	sfence.sel $0xFFFF  }
0xc5: {  	[dreg:$0x0] =	wrdreg $0xFFFFFFFF;
	(pc) =	sbr.abs _section_cstart, $3  }
0xc6: {  	[dreg:$0x1] =	wrdreg $0xFFFFFFFF  }
0xc7: {  	_ =	task.clear_ibuf [dreg:s7], $0x2FFFF;
	_ =	strace $0x9FFFFFFF  }
0xc8: {  	(tm) =	ssettm $0x7FFFFFFF  }
0xc9: {  	_ =	shalt  }
tec
execute0_lowered:
.L_overlay_start_1:
0x0: {  	(tag) =	ssettag $0x1  }
0x1: {  	s1 =	srdreg.scid  }
0x2: {  	s0 =	stileid.u32;
	s2 =	rddreg [dreg:$0x0]  }
0x3: {  	s3 =	rddreg [dreg:$0x1];
	s4 =	simm.s32 $0x0;
	s13 =	simm.s32 $0x1  }
0x4: {  	s14 =	simm.s32 $0x3400;
	s15 =	simm.s32 $0x1400;
	s16 =	simm.s32 $0x5400  }
0x5: {  	s17 =	simm.s32 $0x0;
	s5 =	sand.u32 $0x1, s1;
	s1 =	rddreg [dreg:$0x2]  }
0x6: {  	s30 =	sshll.u32 s0, $0x1;
	s6 =	sshrl.u32 s0, $0x2;
	[smem:$0x7FF] =	sst s4  }
0x7: {  	s8 =	sor.u32 s5, s30;
	s9 =	sshll.u32 s6, $0xF;
	_ =	strace $0x80000047  }
0x8: {  	s10 =	sshll.u32 s6, $0xA;
	s11 =	ssub.s32 $0x2, s5;
	s7 =	sshll.u32 s8, $0x7  }
0x9: {  	s5 =	sadd.s32 $0x44000, s2;
	s31 =	sshll.u32 s6, $0xD;
	s7 =	sand.u32 $0x380, s7  }
0xa: {  	s12 =	sshrl.u32 s11, $0x1;
	s8 =	sshll.u32 s8, $0xA;
	s9 =	sor.u32 s9, s7  }
0xb: {  	s11 =	ssub.s32 s11, s12;
	s10 =	sor.u32 s10, s7;
	s9 =	sshrl.u32 s9, $0x3  }
0xc: {  	s12 =	simm.s32 $0x400;
	s10 =	sshrl.u32 s10, $0x3;
	s9 =	sadd.s32 s9, s2  }
0xd: {  	s7 =	sor.u32 s7, s31;
	s10 =	sadd.s32 s10, s2;
	s6 =	sadd.s32 $0x40000, s9  }
0xe: {  	s9 =	sadd.s32 $0x84000, s10;
	s10 =	smax.u32 s11, $0x1;
	s11 =	simm.s32 $0x80  }
.LBB2_1:
0xf: {  	[tilespmem:s4], [sflag:$0x1] =	stream.strided.gather [hbm4b:s6+s11], $0x1000, s12, s11, $0x38;
	[tilespmem:$0x5480] =	vst v63  }
0x10: {  	_ =	swait.ge [sflag:s13], $0x1000  }
0x11: {  	[sflag:s13] =	ssyncset.done $0x0  }
0x12: {  	v0 =	vimm.f32 $0.0e+00;
	s18 =	simm.s32 $0x0;
	[sflag:s13] =	ssyncadd.s32 $0xFFFFF000  }
.LBB2_2:
0x13: {  	s19 =	sshll.u32 s18, $0xF  }
0x14: {  	s20 =	sor.u32 s7, s19  }
0x15: {  	s20 =	sshrl.u32 s20, $0x3  }
0x16: {  	s21 =	simm.s32 $0x1000;
	s20 =	sadd.s32 s3, s20  }
0x17: {  	[tilespmem:s21], [sflag:$0x1] =	stream.strided.gather [hbm4b:s20+s11], $0x400, s12, s11, $0x38;
	[tilespmem:$0x5480] =	vst v63  }
0x18: {  	_ =	swait.ge [sflag:s13], $0x400  }
0x19: {  	s19 =	sor.u32 s8, s19;
	[sflag:s13] =	ssyncset.done $0x0  }
0x1a: {  	s22 =	sadd.s32 s2, s19;
	s20 =	simm.s32 $0x0;
	[sflag:s13] =	ssyncadd.s32 $0xFFFFFC00  }
0x1b: {  	[tilespmem:s14], [sflag:$0x1] =	stream.linear.gather [hbm4b:s22+s20], $0x2000, $0x38;
	[tilespmem:$0x5480] =	vst v63  }
0x1c: {  	_ =	swait.ge [sflag:s13], $0x2000  }
0x1d: {  	[sflag:s13] =	ssyncset.done $0x0  }
0x1e: {  	[sflag:s13] =	ssyncadd.s32 $0xFFFFE000  }
0x1f: {  	v1 =	vld [tilespmem:s21+$0x0];
	_ =	sdelay $0x7  }
0x20: {  	v2 =	vld.idx.msk [tilespmem:v1+s4+$0x0], $0xffff  }
0x21: {  	v3 =	vadd.s32 $0x200, v1;
	_ =	sdelay $0x1  }
0x22: {  	s31 =	sand.u32 $0x60, s20;
	s23 =	sand.u32 $0x1C00, s20  }
0x23: {  	s24 =	sor.u32 s31, s23  }
0x24: {  	[tilespmem:s24+$0x1400] =	vst v2  }
0x25: {  	v3 =	vld.idx.msk [tilespmem:v3+s4+$0x0], $0xffff  }
0x26: {  	v4 =	vadd.s32 $0x400, v1;
	_ =	sdelay $0x3  }
0x27: {  	[tilespmem:s24+$0x1480] =	vst v3  }
0x28: {  	v4 =	vld.idx.msk [tilespmem:v4+s4+$0x0], $0xffff  }
0x29: {  	v5 =	vadd.s32 $0x600, v1;
	_ =	sdelay $0x3  }
0x2a: {  	[tilespmem:s24+$0x1500] =	vst v4  }
0x2b: {  	v5 =	vld.idx.msk [tilespmem:v5+s4+$0x0], $0xffff  }
0x2c: {  	v6 =	vadd.s32 $0x800, v1;
	_ =	sdelay $0x3  }
0x2d: {  	[tilespmem:s24+$0x1580] =	vst v5  }
0x2e: {  	v6 =	vld.idx.msk [tilespmem:v6+s4+$0x0], $0xffff  }
0x2f: {  	v7 =	vadd.s32 $0xA00, v1;
	_ =	sdelay $0x3  }
0x30: {  	[tilespmem:s24+$0x1600] =	vst v6  }
0x31: {  	v7 =	vld.idx.msk [tilespmem:v7+s4+$0x0], $0xffff  }
0x32: {  	v8 =	vadd.s32 $0xC00, v1;
	_ =	sdelay $0x3  }
0x33: {  	v9 =	vld [tilespmem:s24+$0x3400];
	[tilespmem:s24+$0x1680] =	vst v7  }
0x34: {  	v8 =	vld.idx.msk [tilespmem:v8+s4+$0x0], $0xffff  }
0x35: {  	s26 =	sand.u32 $0x3, s20;
	v10 =	vld [tilespmem:s24+$0x3480];
	v1 =	vadd.s32 $0xE00, v1  }
0x36: {  	v11 =	vld [tilespmem:s24+$0x3500];
	s21 =	sshll.u32 s26, $0x5  }
0x37: {  	v12 =	vld [tilespmem:s24+$0x3580];
	s21 =	sadd.s32 $0x0, s21  }
0x38: {  	v13 =	vld [tilespmem:s24+$0x3600];
	s28 =	sor.u32 $0x300, s21  }
0x39: {  	v14 =	vld [tilespmem:s24+$0x3680];
	[tilespmem:s28+$0x1400] =	vst v8  }
0x3a: {  	v1 =	vld.idx.msk [tilespmem:v1+s4+$0x0], $0xffff;
	_ =	sdelay $0x2  }
0x3b: {  	s25 =	sor.u32 s20, s20  }
0x3c: {  	s30 =	sand.u32 $0x380, s20;
	s29 =	sor.u32 $0x380, s25;
	s22 =	sor.u32 $0x10, s31  }
0x3d: {  	s25 =	sor.u32 s22, s30;
	v15 =	vld [tilespmem:s28+$0x3400];
	[tilespmem:s29+$0x1400] =	vst v1  }
0x3e: {  	v16 =	vld [tilespmem:s25+$0x1000];
	_ =	sdelay $0x7  }
0x3f: {  	v17 =	vld.idx.msk [tilespmem:v16+s4+$0x0], $0xffff  }
0x40: {  	v18 =	vadd.s32 $0x200, v16;
	_ =	sdelay $0x2  }
0x41: {  	s22 =	sor.u32 s23, s22  }
0x42: {  	v19 =	vld [tilespmem:s29+$0x3400];
	[tilespmem:s22+$0x1400] =	vst v17  }
0x43: {  	v18 =	vld.idx.msk [tilespmem:v18+s4+$0x0], $0xffff  }
0x44: {  	v20 =	vadd.s32 $0x400, v16;
	_ =	sdelay $0x3  }
0x45: {  	[tilespmem:s22+$0x1480] =	vst v18  }
0x46: {  	v20 =	vld.idx.msk [tilespmem:v20+s4+$0x0], $0xffff  }
0x47: {  	v21 =	vadd.s32 $0x600, v16;
	_ =	sdelay $0x3  }
0x48: {  	[tilespmem:s22+$0x1500] =	vst v20  }
0x49: {  	v2 =	vsub.f32 v9, v2;
	v51 =	vld.idx.msk [tilespmem:v21+s4+$0x0], $0xffff  }
0x4a: {  	v52 =	vadd.s32 $0x800, v16  }
0x4b: {  	v2 =	vmul.f32 v2, v2;
	v3 =	vsub.f32 v10, v3;
	_ =	sdelay $0x1  }
0x4c: {  	v0 =	vadd.f32 v2, v0;
	v3 =	vmul.f32 v3, v3;
	v2 =	vsub.f32 v11, v4  }
0x4d: {  	[tilespmem:s22+$0x1580] =	vst v51  }
0x4e: {  	v0 =	vadd.f32 v3, v0;
	v2 =	vmul.f32 v2, v2;
	v3 =	vsub.f32 v12, v5;
	v53 =	vld.idx.msk [tilespmem:v52+s4+$0x0], $0xffff  }
0x4f: {  	v54 =	vadd.s32 $0xA00, v16  }
0x50: {  	v0 =	vadd.f32 v2, v0;
	v3 =	vmul.f32 v3, v3;
	v2 =	vsub.f32 v13, v6;
	_ =	sdelay $0x1  }
0x51: {  	v0 =	vadd.f32 v3, v0;
	v2 =	vmul.f32 v2, v2;
	v3 =	vsub.f32 v14, v7  }
0x52: {  	v55 =	vld [tilespmem:s22+$0x3400];
	[tilespmem:s22+$0x1600] =	vst v53  }
0x53: {  	v0 =	vadd.f32 v2, v0;
	v2 =	vmul.f32 v3, v3;
	v3 =	vsub.f32 v15, v8;
	v5 =	vld.idx.msk [tilespmem:v54+s4+$0x0], $0xffff  }
0x54: {  	v56 =	vld [tilespmem:s22+$0x3480];
	v57 =	vadd.s32 $0xC00, v16  }
0x55: {  	v0 =	vadd.f32 v2, v0;
	v2 =	vmul.f32 v3, v3;
	v1 =	vsub.f32 v19, v1  }
0x56: {  	v3 =	vld [tilespmem:s22+$0x3500]  }
0x57: {  	v0 =	vadd.f32 v2, v0;
	v1 =	vmul.f32 v1, v1;
	v6 =	vsub.f32 v55, v17  }
0x58: {  	v2 =	vld [tilespmem:s22+$0x3580];
	[tilespmem:s22+$0x1680] =	vst v5  }
0x59: {  	v0 =	vadd.f32 v1, v0;
	v1 =	vmul.f32 v6, v6;
	v7 =	vsub.f32 v56, v18;
	v58 =	vld.idx.msk [tilespmem:v57+s4+$0x0], $0xffff  }
0x5a: {  	v59 =	vld [tilespmem:s22+$0x3600];
	v60 =	vadd.s32 $0xE00, v16  }
0x5b: {  	v0 =	vadd.f32 v1, v0;
	v7 =	vmul.f32 v7, v7;
	v1 =	vsub.f32 v3, v20  }
0x5c: {  	s21 =	sadd.s32 $0x10, s21;
	v3 =	vld [tilespmem:s22+$0x3680]  }
0x5d: {  	s31 =	sor.u32 $0x300, s21;
	v0 =	vadd.f32 v7, v0;
	v1 =	vmul.f32 v1, v1;
	v2 =	vsub.f32 v2, v51  }
0x5e: {  	v61 =	vld [tilespmem:s31+$0x3400];
	[tilespmem:s31+$0x1400] =	vst v58  }
0x5f: {  	s21 =	sor.u32 $0x380, s21;
	v0 =	vadd.f32 v1, v0;
	v1 =	vmul.f32 v2, v2;
	v2 =	vsub.f32 v59, v53;
	v62 =	vld.idx.msk [tilespmem:v60+s4+$0x0], $0xffff  }
0x60: {  	v63 =	vld [tilespmem:s21+$0x3400]  }
0x61: {  	v0 =	vadd.f32 v1, v0;
	v1 =	vmul.f32 v2, v2;
	v2 =	vsub.f32 v3, v5;
	_ =	sdelay $0x1  }
0x62: {  	v0 =	vadd.f32 v1, v0;
	v2 =	vmul.f32 v2, v2;
	v3 =	vsub.f32 v61, v58;
	_ =	sdelay $0x1  }
0x63: {  	s23 =	simm.s32 $0x1020;
	v2 =	vadd.f32 v2, v0;
	v1 =	vmul.f32 v3, v3;
	v3 =	vsub.f32 v63, v62;
	[tilespmem:s21+$0x1400] =	vst v62  }
0x64: {  	v0 =	vld [tilespmem:s23+$0x0]  }
0x65: {  	v1 =	vadd.f32 v1, v2;
	v2 =	vmul.f32 v3, v3  }
0x66: {  	s24 =	simm.s32 $0x2;
	s22 =	simm.s32 $0x0;
	s21 =	simm.s32 $0x20  }
.LBB2_3:
0x67: {  	s24 =	sadd.s32 $0x2, s24;
	v1 =	vadd.f32 v2, v1;
	s20 =	sadd.s32 $0x100, s20;
	s22 =	sadd.s32 $0x1, s22  }
0x68: {  	p0 =	slt.u32 s24, $0x3E;
	_ =	sdelay $0x2  }
0x69: {  	s28 =	sand.u32 $0x60, s21;
	s26 =	sand.u32 $0x1C00, s20  }
0x6a: {  	s25 =	sor.u32 s28, s26;
	v2 =	vld.idx.msk [tilespmem:v0+s4+$0x0], $0xffff  }
0x6b: {  	v3 =	vld [tilespmem:s25+$0x3400]  }
0x6c: {  	v4 =	vadd.s32 $0x200, v0;
	_ =	sdelay $0x3  }
0x6d: {  	[tilespmem:s25+$0x1400] =	vst v2;
	v2 =	vsub.f32 v3, v2  }
0x6e: {  	v3 =	vld.idx.msk [tilespmem:v4+s4+$0x0], $0xffff  }
0x6f: {  	v2 =	vmul.f32 v2, v2;
	v4 =	vld [tilespmem:s25+$0x3480]  }
0x70: {  	v5 =	vadd.s32 $0x400, v0;
	_ =	sdelay $0x3  }
0x71: {  	[tilespmem:s25+$0x1480] =	vst v3;
	v3 =	vsub.f32 v4, v3  }
0x72: {  	v4 =	vld.idx.msk [tilespmem:v5+s4+$0x0], $0xffff  }
0x73: {  	v1 =	vadd.f32 v2, v1;
	v2 =	vmul.f32 v3, v3;
	v3 =	vld [tilespmem:s25+$0x3500]  }
0x74: {  	v5 =	vadd.s32 $0x600, v0  }
0x75: {  	v1 =	vadd.f32 v2, v1;
	_ =	sdelay $0x2  }
0x76: {  	[tilespmem:s25+$0x1500] =	vst v4;
	v2 =	vsub.f32 v3, v4  }
0x77: {  	v3 =	vld.idx.msk [tilespmem:v5+s4+$0x0], $0xffff  }
0x78: {  	v4 =	vld [tilespmem:s25+$0x3580]  }
0x79: {  	v5 =	vadd.s32 $0x800, v0;
	_ =	sdelay $0x3  }
0x7a: {  	[tilespmem:s25+$0x1580] =	vst v3;
	v3 =	vsub.f32 v4, v3  }
0x7b: {  	v4 =	vld.idx.msk [tilespmem:v5+s4+$0x0], $0xffff  }
0x7c: {  	v3 =	vmul.f32 v3, v3;
	v5 =	vld [tilespmem:s25+$0x3600]  }
0x7d: {  	v6 =	vadd.s32 $0xA00, v0;
	_ =	sdelay $0x1  }
0x7e: {  	v2 =	vmul.f32 v2, v2;
	_ =	sdelay $0x1  }
0x7f: {  	v1 =	vadd.f32 v2, v1;
	[tilespmem:s25+$0x1600] =	vst v4;
	v2 =	vsub.f32 v5, v4  }
0x80: {  	v4 =	vld.idx.msk [tilespmem:v6+s4+$0x0], $0xffff  }
0x81: {  	v1 =	vadd.f32 v3, v1;
	v2 =	vmul.f32 v2, v2;
	v3 =	vld [tilespmem:s25+$0x3680]  }
0x82: {  	v5 =	vadd.s32 $0xC00, v0  }
0x83: {  	v1 =	vadd.f32 v2, v1;
	_ =	sdelay $0x2  }
0x84: {  	[tilespmem:s25+$0x1680] =	vst v4;
	v2 =	vsub.f32 v3, v4  }
0x85: {  	v3 =	vld.idx.msk [tilespmem:v5+s4+$0x0], $0xffff  }
0x86: {  	v2 =	vmul.f32 v2, v2  }
0x87: {  	v0 =	vadd.s32 $0xE00, v0;
	s25 =	sand.u32 $0x3, s22  }
0x88: {  	s25 =	sshll.u32 s25, $0x5;
	v1 =	vadd.f32 v2, v1  }
0x89: {  	s25 =	sadd.s32 s25, s20  }
0x8a: {  	s29 =	sor.u32 $0x300, s25;
	s25 =	sadd.s32 $0x10, s25  }
0x8b: {  	[tilespmem:s29+$0x1400] =	vst v3  }
0x8c: {  	v0 =	vld.idx.msk [tilespmem:v0+s4+$0x0], $0xffff;
	_ =	sdelay $0x3  }
0x8d: {  	s30 =	sor.u32 s20, s21  }
0x8e: {  	s28 =	sor.u32 $0x10, s28;
	v2 =	vld [tilespmem:s29+$0x3400];
	s29 =	sor.u32 $0x380, s30;
	s30 =	sand.u32 $0x380, s21  }
0x8f: {  	[tilespmem:s29+$0x1400] =	vst v0;
	s30 =	sor.u32 s28, s30  }
0x90: {  	s26 =	sor.u32 s26, s28;
	v4 =	vld [tilespmem:s30+$0x1000]  }
0x91: {  	v5 =	vld [tilespmem:s26+$0x3500]  }
0x92: {  	v6 =	vld [tilespmem:s26+$0x3400]  }
0x93: {  	v2 =	vsub.f32 v2, v3;
	v3 =	vld [tilespmem:s26+$0x3600]  }
0x94: {  	v7 =	vld [tilespmem:s26+$0x3480]  }
0x95: {  	v2 =	vmul.f32 v2, v2;
	v8 =	vld [tilespmem:s26+$0x3580]  }
0x96: {  	v9 =	vld [tilespmem:s26+$0x3680];
	_ =	sdelay $0x1  }
0x97: {  	v10 =	vld.idx.msk [tilespmem:v4+s4+$0x0], $0xffff;
	_ =	sdelay $0x1  }
0x98: {  	v11 =	vadd.s32 $0x200, v4;
	_ =	sdelay $0x2  }
0x99: {  	v12 =	vld [tilespmem:s29+$0x3400]  }
0x9a: {  	v6 =	vsub.f32 v6, v10;
	[tilespmem:s26+$0x1400] =	vst v10  }
0x9b: {  	v10 =	vld.idx.msk [tilespmem:v11+s4+$0x0], $0xffff;
	_ =	sdelay $0x1  }
0x9c: {  	v11 =	vadd.s32 $0x400, v4  }
0x9d: {  	v0 =	vsub.f32 v12, v0;
	_ =	sdelay $0x1  }
0x9e: {  	v1 =	vadd.f32 v2, v1;
	v0 =	vmul.f32 v0, v0  }
0x9f: {  	v2 =	vsub.f32 v7, v10;
	[tilespmem:s26+$0x1480] =	vst v10  }
0xa0: {  	v0 =	vadd.f32 v0, v1;
	v1 =	vld.idx.msk [tilespmem:v11+s4+$0x0], $0xffff  }
0xa1: {  	v2 =	vmul.f32 v2, v2  }
0xa2: {  	v7 =	vadd.s32 $0x600, v4;
	_ =	sdelay $0x1  }
0xa3: {  	v6 =	vmul.f32 v6, v6;
	_ =	sdelay $0x1  }
0xa4: {  	v0 =	vadd.f32 v6, v0;
	[tilespmem:s26+$0x1500] =	vst v1;
	v1 =	vsub.f32 v5, v1  }
0xa5: {  	v5 =	vld.idx.msk [tilespmem:v7+s4+$0x0], $0xffff  }
0xa6: {  	v0 =	vadd.f32 v2, v0;
	v1 =	vmul.f32 v1, v1  }
0xa7: {  	v2 =	vadd.s32 $0x800, v4  }
0xa8: {  	v0 =	vadd.f32 v1, v0;
	_ =	sdelay $0x2  }
0xa9: {  	v1 =	vsub.f32 v8, v5;
	[tilespmem:s26+$0x1580] =	vst v5  }
0xaa: {  	v2 =	vld.idx.msk [tilespmem:v2+s4+$0x0], $0xffff  }
0xab: {  	v1 =	vmul.f32 v1, v1  }
0xac: {  	v5 =	vadd.s32 $0xA00, v4  }
0xad: {  	v0 =	vadd.f32 v1, v0;
	_ =	sdelay $0x2  }
0xae: {  	v1 =	vsub.f32 v3, v2;
	[tilespmem:s26+$0x1600] =	vst v2  }
0xaf: {  	v2 =	vld.idx.msk [tilespmem:v5+s4+$0x0], $0xffff  }
0xb0: {  	v1 =	vmul.f32 v1, v1  }
0xb1: {  	v3 =	vadd.s32 $0xC00, v4;
	_ =	sdelay $0x3  }
0xb2: {  	[tilespmem:s26+$0x1680] =	vst v2;
	v2 =	vsub.f32 v9, v2  }
0xb3: {  	s26 =	sor.u32 $0x300, s25;
	v3 =	vld.idx.msk [tilespmem:v3+s4+$0x0], $0xffff  }
0xb4: {  	v2 =	vmul.f32 v2, v2;
	v5 =	vld [tilespmem:s26+$0x3400]  }
0xb5: {  	v4 =	vadd.s32 $0xE00, v4;
	_ =	sdelay $0x3  }
0xb6: {  	[tilespmem:s26+$0x1400] =	vst v3;
	v3 =	vsub.f32 v5, v3  }
0xb7: {  	s25 =	sor.u32 $0x380, s25;
	v4 =	vld.idx.msk [tilespmem:v4+s4+$0x0], $0xffff  }
0xb8: {  	v3 =	vmul.f32 v3, v3;
	v5 =	vld [tilespmem:s25+$0x3400];
	_ =	sdelay $0x2  }
0xb9: {  	v0 =	vadd.f32 v1, v0  }
.Ltmp0:
0xba: {  	(pc) =	sbr.rel @p0 .LBB2_3-.Ltmp0, $4  }
0xbb: {  	s23 =	sadd.s32 $0x20, s23;
	v1 =	vadd.f32 v2, v0;
	[tilespmem:s25+$0x1400] =	vst v4;
	v2 =	vsub.f32 v5, v4  }
0xbc: {  	v0 =	vld [tilespmem:s23+$0x0]  }
0xbd: {  	v1 =	vadd.f32 v3, v1;
	v2 =	vmul.f32 v2, v2  }
0xbe: {  	s21 =	sadd.s32 $0x20, s21  }
0xbf: {  	_ =	sdelay $0x5  }
0xc0: {  	v3 =	vld.idx.msk [tilespmem:v0+s4+$0x0], $0xffff  }
0xc1: {  	v4 =	vadd.s32 $0x200, v0  }
0xc2: {  	s23 =	sadd.s32 $0x100, s20  }
0xc3: {  	s24 =	sand.u32 $0x60, s21;
	s25 =	sand.u32 $0x1C00, s23  }
0xc4: {  	s26 =	sor.u32 s24, s25  }
0xc5: {  	[tilespmem:s26+$0x1400] =	vst v3  }
0xc6: {  	v4 =	vld.idx.msk [tilespmem:v4+s4+$0x0], $0xffff  }
0xc7: {  	v5 =	vadd.s32 $0x400, v0;
	_ =	sdelay $0x3  }
0xc8: {  	[tilespmem:s26+$0x1480] =	vst v4  }
0xc9: {  	v5 =	vld.idx.msk [tilespmem:v5+s4+$0x0], $0xffff  }
0xca: {  	v6 =	vadd.s32 $0x600, v0;
	_ =	sdelay $0x3  }
0xcb: {  	[tilespmem:s26+$0x1500] =	vst v5  }
0xcc: {  	v6 =	vld.idx.msk [tilespmem:v6+s4+$0x0], $0xffff  }
0xcd: {  	v7 =	vadd.s32 $0x800, v0;
	_ =	sdelay $0x3  }
0xce: {  	[tilespmem:s26+$0x1580] =	vst v6  }
0xcf: {  	v7 =	vld.idx.msk [tilespmem:v7+s4+$0x0], $0xffff  }
0xd0: {  	v8 =	vadd.s32 $0xA00, v0;
	_ =	sdelay $0x3  }
0xd1: {  	[tilespmem:s26+$0x1600] =	vst v7  }
0xd2: {  	v8 =	vld.idx.msk [tilespmem:v8+s4+$0x0], $0xffff  }
0xd3: {  	v9 =	vadd.s32 $0xC00, v0;
	_ =	sdelay $0x3  }
0xd4: {  	v10 =	vld [tilespmem:s26+$0x3400];
	[tilespmem:s26+$0x1680] =	vst v8  }
0xd5: {  	s30 =	sadd.s32 $0x1, s22;
	v9 =	vld.idx.msk [tilespmem:v9+s4+$0x0], $0xffff  }
0xd6: {  	s20 =	sand.u32 $0x3, s30;
	v0 =	vadd.s32 $0xE00, v0;
	v11 =	vld [tilespmem:s26+$0x3480]  }
0xd7: {  	s20 =	sshll.u32 s20, $0x5;
	v12 =	vld [tilespmem:s26+$0x3500]  }
0xd8: {  	v13 =	vld [tilespmem:s26+$0x3580];
	s20 =	sadd.s32 s20, s23  }
0xd9: {  	v14 =	vld [tilespmem:s26+$0x3600];
	s31 =	sor.u32 $0x300, s20  }
0xda: {  	v15 =	vld [tilespmem:s26+$0x3680];
	[tilespmem:s31+$0x1400] =	vst v9  }
0xdb: {  	v0 =	vld.idx.msk [tilespmem:v0+s4+$0x0], $0xffff;
	_ =	sdelay $0x2  }
0xdc: {  	s23 =	sor.u32 s23, s21  }
0xdd: {  	s29 =	sand.u32 $0x380, s21;
	s28 =	sor.u32 $0x10, s24;
	s26 =	sor.u32 $0x380, s23  }
0xde: {  	s21 =	sor.u32 s28, s29;
	v16 =	vld [tilespmem:s31+$0x3400];
	[tilespmem:s26+$0x1400] =	vst v0  }
0xdf: {  	v17 =	vld [tilespmem:s21+$0x1000];
	_ =	sdelay $0x7  }
0xe0: {  	v18 =	vld.idx.msk [tilespmem:v17+s4+$0x0], $0xffff  }
0xe1: {  	v19 =	vadd.s32 $0x200, v17;
	_ =	sdelay $0x2  }
0xe2: {  	s30 =	sor.u32 s25, s28  }
0xe3: {  	v20 =	vld [tilespmem:s26+$0x3400];
	[tilespmem:s30+$0x1400] =	vst v18  }
0xe4: {  	v19 =	vld.idx.msk [tilespmem:v19+s4+$0x0], $0xffff  }
0xe5: {  	v21 =	vadd.s32 $0x400, v17;
	_ =	sdelay $0x3  }
0xe6: {  	[tilespmem:s30+$0x1480] =	vst v19  }
0xe7: {  	v21 =	vld.idx.msk [tilespmem:v21+s4+$0x0], $0xffff  }
0xe8: {  	v22 =	vadd.s32 $0x600, v17;
	_ =	sdelay $0x3  }
0xe9: {  	[tilespmem:s30+$0x1500] =	vst v21  }
0xea: {  	v3 =	vsub.f32 v10, v3;
	v51 =	vld.idx.msk [tilespmem:v22+s4+$0x0], $0xffff  }
0xeb: {  	v52 =	vadd.s32 $0x800, v17  }
0xec: {  	v1 =	vadd.f32 v2, v1;
	v3 =	vmul.f32 v3, v3;
	v2 =	vsub.f32 v11, v4;
	_ =	sdelay $0x1  }
0xed: {  	v1 =	vadd.f32 v3, v1;
	v2 =	vmul.f32 v2, v2;
	v3 =	vsub.f32 v12, v5  }
0xee: {  	[tilespmem:s30+$0x1580] =	vst v51  }
0xef: {  	v1 =	vadd.f32 v2, v1;
	v3 =	vmul.f32 v3, v3;
	v2 =	vsub.f32 v13, v6;
	v53 =	vld.idx.msk [tilespmem:v52+s4+$0x0], $0xffff  }
0xf0: {  	v54 =	vadd.s32 $0xA00, v17  }
0xf1: {  	v1 =	vadd.f32 v3, v1;
	v2 =	vmul.f32 v2, v2;
	v3 =	vsub.f32 v14, v7;
	_ =	sdelay $0x1  }
0xf2: {  	v1 =	vadd.f32 v2, v1;
	v2 =	vmul.f32 v3, v3;
	v3 =	vsub.f32 v15, v8  }
0xf3: {  	v55 =	vld [tilespmem:s30+$0x3400];
	[tilespmem:s30+$0x1600] =	vst v53  }
0xf4: {  	v1 =	vadd.f32 v2, v1;
	v2 =	vmul.f32 v3, v3;
	v3 =	vsub.f32 v16, v9;
	v5 =	vld.idx.msk [tilespmem:v54+s4+$0x0], $0xffff  }
0xf5: {  	v56 =	vld [tilespmem:s30+$0x3480];
	v57 =	vadd.s32 $0xC00, v17  }
0xf6: {  	v1 =	vadd.f32 v2, v1;
	v2 =	vmul.f32 v3, v3;
	v0 =	vsub.f32 v20, v0  }
0xf7: {  	v3 =	vld [tilespmem:s30+$0x3500]  }
0xf8: {  	v1 =	vadd.f32 v2, v1;
	v0 =	vmul.f32 v0, v0;
	v6 =	vsub.f32 v55, v18  }
0xf9: {  	v2 =	vld [tilespmem:s30+$0x3580];
	[tilespmem:s30+$0x1680] =	vst v5  }
0xfa: {  	v0 =	vadd.f32 v0, v1;
	v1 =	vmul.f32 v6, v6;
	v7 =	vsub.f32 v56, v19;
	v58 =	vld.idx.msk [tilespmem:v57+s4+$0x0], $0xffff  }
0xfb: {  	v59 =	vld [tilespmem:s30+$0x3600];
	v60 =	vadd.s32 $0xE00, v17  }
0xfc: {  	v0 =	vadd.f32 v1, v0;
	v7 =	vmul.f32 v7, v7;
	v1 =	vsub.f32 v3, v21  }
0xfd: {  	s20 =	sadd.s32 $0x10, s20;
	v3 =	vld [tilespmem:s30+$0x3680]  }
0xfe: {  	s31 =	sor.u32 $0x300, s20;
	v0 =	vadd.f32 v7, v0;
	v1 =	vmul.f32 v1, v1;
	v2 =	vsub.f32 v2, v51  }
0xff: {  	v61 =	vld [tilespmem:s31+$0x3400];
	[tilespmem:s31+$0x1400] =	vst v58  }
0x100: {  	s20 =	sor.u32 $0x380, s20;
	v0 =	vadd.f32 v1, v0;
	v1 =	vmul.f32 v2, v2;
	v2 =	vsub.f32 v59, v53;
	v62 =	vld.idx.msk [tilespmem:v60+s4+$0x0], $0xffff  }
0x101: {  	v63 =	vld [tilespmem:s20+$0x3400]  }
0x102: {  	v0 =	vadd.f32 v1, v0;
	v1 =	vmul.f32 v2, v2;
	v2 =	vsub.f32 v3, v5;
	_ =	sdelay $0x1  }
0x103: {  	s18 =	sadd.s32 $0x1, s18;
	v0 =	vadd.f32 v1, v0;
	v2 =	vmul.f32 v2, v2;
	v3 =	vsub.f32 v61, v58  }
0x104: {  	p0 =	sne.s32 s18, $0x8  }
.Ltmp1:
0x105: {  	s19 =	sadd.s32 s5, s19;
	v0 =	vadd.f32 v2, v0;
	v1 =	vmul.f32 v3, v3;
	[tilespmem:s20+$0x1400] =	vst v62;
	v2 =	vsub.f32 v63, v62;
	(pc) =	sbr.rel @p0 .LBB2_2-.Ltmp1, $4  }
0x106: {  	[hbm4b:s19+s4] =	stream.linear.scatter [tilespmem:s15], [sflag:$0x1], $0x2000, $0x38;
	[tilespmem:$0x5480] =	vst v63  }
0x107: {  	v0 =	vadd.f32 v1, v0;
	v1 =	vmul.f32 v2, v2;
	_ =	swait.ge [sflag:s13], $0x2000  }
0x108: {  	[sflag:s13] =	ssyncset.done $0x0  }
0x109: {  	v0 =	vadd.f32 v1, v0;
	[sflag:s13] =	ssyncadd.s32 $0xFFFFE000  }
0x10a: {  	s17 =	sadd.s32 $0x1, s17  }
0x10b: {  	p0 =	sne.s32 s17, s10  }
.Ltmp2:
0x10c: {  	[tilespmem:$0x5400] =	vst v0;
	(pc) =	sbr.rel @p0 .LBB2_1-.Ltmp2, $4  }
0x10d: {  	[hbm4b:s9+s4] =	stream.linear.scatter [tilespmem:s16], [sflag:$0x1], $0x80, $0x38;
	[tilespmem:$0x5480] =	vst v63  }
0x10e: {  	_ =	swait.ge [sflag:s13], $0x80  }
0x10f: {  	[sflag:s13] =	ssyncset.done $0x0  }
0x110: {  	[sflag:s13] =	ssyncadd.s32 $0xFFFFFF80  }
0x111: {  	_ =	sfence.sel $0x180000  }
0x112: {  	[bflag:$0x0] =	sbarrier.arrive $0xFFFF  }
0x113: {  	p0 =	sne.s32 s0, $0x0;
	_ =	strace $0x90000047  }
0x114: {  	s0 =	sadd.s32 @!p0 $0x100000, s1;
	[bflag:$0x2] =	sbarrier.arrive $0xFFFF  }
0x115: {  	[sflag:s0] =	ssyncadd.tile.s32 @!p0 $0x1;
	_ =	shalt  }
.Lfunc_end2:
_tile_overlayer_lowered:
.L_overlay_start_2:
0x116: {  	(tag) =	ssettag $0x2  }
0x117: {  	s0 =	rddreg [dreg:$0x0];
	s2 =	stileid.u32  }
0x118: {  	s1 =	rddreg [dreg:$0x1];
	p0 =	sne.s32 s2, $0x0  }
0x119: {  	s3 =	rddreg [dreg:$0x2];
	[bflag:$0x3] =	sbarrier.arrive $0xFFFF;
	s2 =	simm.s32 @!p0 $0x1C01  }
0x11a: {  	[timem:s3], [sflag:s2] =	dma.local @!p0 [hbm:s0], s1  }
0x11b: {  	s0 =	simm.s32 @!p0 $0x1  }
0x11c: {  	_ =	swait.ge @!p0 [sflag:s0], s1  }
0x11d: {  	s1 =	ssub.s32 @!p0 $0x0, s1;
	[sflag:s0] =	ssyncset.done @!p0 $0x0  }
0x11e: {  	[sflag:s0] =	ssyncadd.s32 @!p0 s1  }
0x11f: {  	[bflag:$0x3] =	sbarrier.arrive $0xFFFF  }
0x120: {  	_ =	shalt  }

</sc_bundles>
